<compile_context>
chip_gen: v7x
topology: tpu7x:2x2x1
jax: 0.10.2.dev20260603
libtpu: 0.0.44.dev20260713+nightly
codegen_flags: <defaults>
</compile_context>

<pallas_src>
import functools

import jax
import jax.numpy as jnp
from jax import lax
from jax.experimental import pallas as pl
from jax.experimental.pallas import tpu as pltpu
from jax.experimental.pallas import tpu_sc as plsc

EMBED_DIM = 64
NUM_EMB = 1024
COMMIT = 0.25
MOMENTUM = 0.9

ROWS = 32 * 1024
BLK = 4096
NBLK = ROWS // BLK

NC = 2
NS = 16
NW = NC * NS
BW = ROWS // NW
CH = 128
NCH = BW // CH


def _main_body(x_ref, e_ref, qst_ref, idx_ref, idx2_ref, loss_ref,
               cnt_ref, cnt_acc, loss_acc):
    i = pl.program_id(0)
    xb = x_ref[...]
    e = e_ref[...]
    x2 = jnp.sum(xb * xb, axis=1, keepdims=True)
    e2 = jnp.sum(e * e, axis=0, keepdims=True)
    s = lax.dot_general(xb, e, (((1,), (0,)), ((), ())),
                        preferred_element_type=jnp.float32)
    dist = (x2 + e2) - 2.0 * s
    m = jnp.min(dist, axis=1, keepdims=True)
    codes = lax.broadcasted_iota(jnp.int32, (BLK, NUM_EMB), 1)
    cand = jnp.where(dist == m, codes, NUM_EMB)
    idx = jnp.min(cand, axis=1)
    idx_ref[...] = idx
    idx2_ref[...] = idx.reshape(BLK // 128, 128)

    enc = (codes == idx[:, None]).astype(jnp.float32)
    q = lax.dot_general(enc, e, (((1,), (1,)), ((), ())),
                        preferred_element_type=jnp.float32)
    qst_ref[...] = xb + (q - xb)
    loss_part = jnp.sum((q - xb) ** 2).reshape(1, 1)
    ones = jnp.ones((1, BLK), jnp.float32)
    cnt_part = lax.dot_general(ones, enc, (((1,), (0,)), ((), ())),
                               preferred_element_type=jnp.float32)

    @pl.when(i == 0)
    def _init():
        cnt_acc[...] = cnt_part
        loss_acc[...] = loss_part

    @pl.when(i > 0)
    def _acc():
        cnt_acc[...] += cnt_part
        loss_acc[...] += loss_part

    @pl.when(i == NBLK - 1)
    def _fin():
        cnt_ref[...] = cnt_acc[...]
        loss_ref[...] = COMMIT * loss_acc[...] * (1.0 / (ROWS * EMBED_DIM))


def _stage_main(xf, e):
    scalar = pl.BlockSpec((1, 1), lambda i: (0, 0))
    return pl.pallas_call(
        _main_body,
        grid=(NBLK,),
        in_specs=[
            pl.BlockSpec((BLK, EMBED_DIM), lambda i: (i, 0)),
            pl.BlockSpec((EMBED_DIM, NUM_EMB), lambda i: (0, 0)),
        ],
        out_specs=(
            pl.BlockSpec((BLK, EMBED_DIM), lambda i: (i, 0)),
            pl.BlockSpec((BLK,), lambda i: (i,)),
            pl.BlockSpec((BLK // 128, 128), lambda i: (i, 0)),
            scalar,
            pl.BlockSpec((1, NUM_EMB), lambda i: (0, 0)),
        ),
        out_shape=(
            jax.ShapeDtypeStruct((ROWS, EMBED_DIM), jnp.float32),
            jax.ShapeDtypeStruct((ROWS,), jnp.int32),
            jax.ShapeDtypeStruct((ROWS // 128, 128), jnp.int32),
            jax.ShapeDtypeStruct((1, 1), jnp.float32),
            jax.ShapeDtypeStruct((1, NUM_EMB), jnp.float32),
        ),
        scratch_shapes=[
            pltpu.VMEM((1, NUM_EMB), jnp.float32),
            pltpu.VMEM((1, 1), jnp.float32),
        ],
    )(xf, e)


def _sc_body(idx_ref, x_ref, zun_ref, un_ref, idx_v, buf_v, sh_un, sem):
    c = lax.axis_index("c")
    s = lax.axis_index("s")
    w = s * NC + c
    base = w * BW

    @pl.when(s == 0)
    def _zero():
        pltpu.sync_copy(zun_ref, sh_un)

    pltpu.sync_copy(idx_ref.at[pl.ds(w * NCH, NCH)], idx_v)
    pltpu.sync_copy(x_ref.at[pl.ds(base, BW)], buf_v)

    plsc.subcore_barrier()

    for j in range(NCH):
        pltpu.sync_copy(buf_v.at[pl.ds(j * CH, CH)],
                        sh_un.at[idx_v.at[j]], add=True)

    plsc.subcore_barrier()

    @pl.when(s == 0)
    def _drain():
        pltpu.sync_copy(sh_un, un_ref.at[c])


def _sc_scatter(idx2, xf, zun):
    mesh = plsc.VectorSubcoreMesh(core_axis_name="c", subcore_axis_name="s")
    f = functools.partial(
        pl.kernel,
        out_type=jax.ShapeDtypeStruct((NC, NUM_EMB, EMBED_DIM), jnp.float32),
        mesh=mesh,
        scratch_types=[
            pltpu.VMEM((NCH, CH), jnp.int32),
            pltpu.VMEM((BW, EMBED_DIM), jnp.float32),
            pltpu.VMEM_SHARED((NUM_EMB, EMBED_DIM), jnp.float32),
            pltpu.SemaphoreType.DMA,
        ],
        compiler_params=pltpu.CompilerParams(use_tc_tiling_on_sc=False),
    )(_sc_body)
    return f(idx2, xf, zun)


def _fin_body(cnt_ref, unp_ref, cs_ref, un_ref,
              ppl_ref, newe_ref, newcs_ref, newun_ref):
    counts = cnt_ref[...].reshape(NUM_EMB)
    new_cs = (1.0 - MOMENTUM) * counts + MOMENTUM * cs_ref[...]
    n = jnp.sum(new_cs)
    stable_cs = (new_cs + 1e-20) / (n + NUM_EMB * 1e-20) * n
    unp = unp_ref[...]
    un_t = jnp.transpose(unp[0] + unp[1])
    new_un = (1.0 - MOMENTUM) * un_t + MOMENTUM * un_ref[...]
    newcs_ref[...] = new_cs
    newun_ref[...] = new_un
    newe_ref[...] = new_un / stable_cs[None, :]
    probs = counts * (1.0 / ROWS)
    ppl_ref[...] = jnp.exp(
        -jnp.sum(probs * jnp.log(probs + 1e-20))).reshape(1, 1)


def _finalize(cnt, un_p, cluster_size, unnormalized):
    return pl.pallas_call(
        _fin_body,
        out_shape=(
            jax.ShapeDtypeStruct((1, 1), jnp.float32),
            jax.ShapeDtypeStruct((EMBED_DIM, NUM_EMB), jnp.float32),
            jax.ShapeDtypeStruct((NUM_EMB,), jnp.float32),
            jax.ShapeDtypeStruct((EMBED_DIM, NUM_EMB), jnp.float32),
        ),
    )(cnt, un_p, cluster_size, unnormalized)


def kernel(x, embeddings, cluster_size, unnormalized):
    input_shape = x.shape[:-1]
    xf = x.reshape((-1, EMBED_DIM))

    qst, idx, idx2, loss, cnt = _stage_main(xf, embeddings)

    zun = jnp.zeros((NUM_EMB, EMBED_DIM), jnp.float32)
    un_p = _sc_scatter(idx2, xf, zun)

    ppl, new_e, new_cs, new_un = _finalize(cnt, un_p, cluster_size,
                                           unnormalized)

    return (qst.reshape((*input_shape, EMBED_DIM)), loss.reshape(()),
            ppl.reshape(()), idx, new_e, new_cs, new_un)

# --- scband reference (transcript-rebuilt; emitter-appended) ---
"""Pipeline reference for scband-kmeans-quantizer-58497454572171 (READ-ONLY COPY).

The authoritative reference and input builder live on the scoring server;
editing this copy changes nothing except your own understanding.
"""

import jax, jax.numpy as jnp
import numpy as np

EMBED_DIM = 64
NUM_EMB = 1024
COMMIT = 0.25
MOMENTUM = 0.9


def setup_inputs(seed: int = 0) -> dict:
    key = jax.random.key(seed)
    k1, k2, k3, k4 = jax.random.split(key, 4)
    x = jax.random.normal(k1, (32, 1024, EMBED_DIM), dtype=jnp.float32)
    # variance_scaling(1.0, 'fan_in', 'uniform') on shape (d, K): fan_in = d
    scale = float(np.sqrt(3.0 / EMBED_DIM))
    embeddings = jax.random.uniform(k2, (EMBED_DIM, NUM_EMB), dtype=jnp.float32, minval=-scale, maxval=scale)
    cluster_size = jax.random.uniform(k3, (NUM_EMB,), dtype=jnp.float32, minval=0.0, maxval=1.0)
    unnormalized = jax.random.normal(k4, (EMBED_DIM, NUM_EMB), dtype=jnp.float32) * 0.1
    return {"x": x, "embeddings": embeddings, "cluster_size": cluster_size, "unnormalized": unnormalized}


def reference(x, embeddings, cluster_size, unnormalized):
    input_shape = x.shape[:-1]
    xf = x.reshape((-1, EMBED_DIM))
    e, cs, un = embeddings, cluster_size, unnormalized
    # squared L2 distance to each code
    dist = jnp.sum(xf * xf, 1, keepdims=True) + jnp.sum(e * e, 0, keepdims=True) - 2 * (xf @ e)
    enc_idx = jnp.argmax(-dist, 1)
    enc = jax.nn.one_hot(enc_idx, NUM_EMB)
    quantized = e.T[enc_idx.reshape(input_shape), ]
    # EMA codebook update (train=True branch)
    new_cs = (1.0 - MOMENTUM) * jnp.sum(enc, axis=0) + MOMENTUM * cs
    new_un = (1.0 - MOMENTUM) * (xf.T @ enc) + MOMENTUM * un
    n = jnp.sum(new_cs)
    stable_cs = (new_cs + 1e-20) / (n + NUM_EMB * 1e-20) * n
    new_e = new_un / stable_cs.reshape((1, -1))
    xr = xf.reshape((*input_shape, EMBED_DIM))
    loss = COMMIT * jnp.mean((jax.lax.stop_gradient(quantized) - xr) ** 2)
    quantized_st = xr + jax.lax.stop_gradient(quantized - xr)
    avg_probs = jnp.mean(enc.reshape((*input_shape, -1)), 0)
    over_latents = jnp.mean(avg_probs, tuple(range(len(input_shape) - 1)))
    perplexity = jnp.exp(-jnp.sum(over_latents * jnp.log(over_latents + 1e-20)))
    return (quantized_st, loss, perplexity, enc_idx, new_e, new_cs, new_un)

if __name__ == "__main__":
    import jax
    _d = setup_inputs()
    print(jax.jit(kernel)(*tuple(_d.values())))

</pallas_src>

<mosaic_0001>
#map = affine_map<(d0, d1) -> (0, 0)>
#map1 = affine_map<(d0, d1) -> (0, 0, 0)>
module attributes {stable_mosaic.version = 14 : i64} {
  func.func @_sc_body(%arg0: i32, %arg1: i32, %arg2: memref<256x128xi32, #tpu.memory_space<hbm>>, %arg3: memref<32768x64xf32, #tpu.memory_space<hbm>>, %arg4: memref<1024x64xf32, #tpu.memory_space<hbm>>, %arg5: memref<2x1024x64xf32, #tpu.memory_space<hbm>>, %arg6: memref<8x128xi32, #tpu.memory_space<vmem>>, %arg7: memref<1024x64xf32, #tpu.memory_space<vmem>>, %arg8: memref<1024x64xf32, #tpu.memory_space<vmem_shared>>, %arg9: memref<!tpu.dma_semaphore, #tpu.memory_space<semaphore_mem>>) attributes {dimension_semantics = [#tpu.dimension_semantics<core_parallel>, #tpu.dimension_semantics<subcore_parallel>], iteration_bounds = array<i64: 2, 16>, scalar_prefetch = 0 : i64, scratch_operands = 4 : i64, tpu.core_type = #tpu.core_type<sc_vector_subcore>, window_params = [{transform_indices = #map}, {transform_indices = #map}, {transform_indices = #map}, {transform_indices = #map1}]} {
    %mul3A = arith.constant 2 : i32
    %mul3A_0 = arith.muli %arg1, %mul3A : i32
    %add3A = arith.addi %mul3A_0, %arg0 : i32
    %mul3A_1 = arith.constant 1024 : i32
    %mul3A_2 = arith.muli %add3A, %mul3A_1 : i32
    %eq3A = arith.constant 0 : i32
    %eq3A_3 = arith.cmpi eq, %arg1, %eq3A : i32
    %convert_element_type3A = arith.extui %eq3A_3 : i1 to i32
    %cond3A = arith.constant 0 : i32
    %cond3A_4 = arith.cmpi ne, %convert_element_type3A, %cond3A : i32
    scf.if %cond3A_4 {
      "tpu.region"() ({
        %run_scoped3A_20 = tpu.sem_alloc : memref<!tpu.dma_semaphore, #tpu.memory_space<semaphore_mem>>
        tpu.enqueue_dma source(%arg4 : memref<1024x64xf32, #tpu.memory_space<hbm>>) target(%arg8 : memref<1024x64xf32, #tpu.memory_space<vmem_shared>>) target_semaphore(%run_scoped3A_20 : memref<!tpu.dma_semaphore, #tpu.memory_space<semaphore_mem>>)
        tpu.wait_dma2 semaphore(%run_scoped3A_20 : memref<!tpu.dma_semaphore, #tpu.memory_space<semaphore_mem>>) src(%arg4 : memref<1024x64xf32, #tpu.memory_space<hbm>>) dst(%arg8 : memref<1024x64xf32, #tpu.memory_space<vmem_shared>>)
        tpu.yield
      }) : () -> ()
    } else {
    }
    %mul3A_5 = arith.constant 8 : i32
    %mul3A_6 = arith.muli %add3A, %mul3A_5 : i32
    "tpu.region"() ({
      %run_scoped3A_20 = tpu.sem_alloc : memref<!tpu.dma_semaphore, #tpu.memory_space<semaphore_mem>>
      %dma_start3A = arith.constant 0 : i32
      %dma_start3A_21 = tpu.memref_slice %arg2[%mul3A_6, %dma_start3A] : memref<256x128xi32, #tpu.memory_space<hbm>> -> memref<8x128xi32, #tpu.memory_space<hbm>>
      %dma_start3A_22 = arith.constant 0 : i32
      %dma_start3A_23 = tpu.memref_slice %arg2[%mul3A_6, %dma_start3A_22] : memref<256x128xi32, #tpu.memory_space<hbm>> -> memref<8x128xi32, #tpu.memory_space<hbm>>
      tpu.enqueue_dma source(%dma_start3A_23 : memref<8x128xi32, #tpu.memory_space<hbm>>) target(%arg6 : memref<8x128xi32, #tpu.memory_space<vmem>>) target_semaphore(%run_scoped3A_20 : memref<!tpu.dma_semaphore, #tpu.memory_space<semaphore_mem>>)
      %dma_wait3A = arith.constant 0 : i32
      %dma_wait3A_24 = tpu.memref_slice %arg2[%mul3A_6, %dma_wait3A] : memref<256x128xi32, #tpu.memory_space<hbm>> -> memref<8x128xi32, #tpu.memory_space<hbm>>
      %dma_wait3A_25 = arith.constant 0 : i32
      %dma_wait3A_26 = tpu.memref_slice %arg2[%mul3A_6, %dma_wait3A_25] : memref<256x128xi32, #tpu.memory_space<hbm>> -> memref<8x128xi32, #tpu.memory_space<hbm>>
      tpu.wait_dma2 semaphore(%run_scoped3A_20 : memref<!tpu.dma_semaphore, #tpu.memory_space<semaphore_mem>>) src(%dma_wait3A_26 : memref<8x128xi32, #tpu.memory_space<hbm>>) dst(%arg6 : memref<8x128xi32, #tpu.memory_space<vmem>>)
      tpu.yield
    }) : () -> ()
    "tpu.region"() ({
      %run_scoped3A_20 = tpu.sem_alloc : memref<!tpu.dma_semaphore, #tpu.memory_space<semaphore_mem>>
      %dma_start3A = arith.constant 0 : i32
      %dma_start3A_21 = tpu.memref_slice %arg3[%mul3A_2, %dma_start3A] : memref<32768x64xf32, #tpu.memory_space<hbm>> -> memref<1024x64xf32, #tpu.memory_space<hbm>>
      %dma_start3A_22 = arith.constant 0 : i32
      %dma_start3A_23 = tpu.memref_slice %arg3[%mul3A_2, %dma_start3A_22] : memref<32768x64xf32, #tpu.memory_space<hbm>> -> memref<1024x64xf32, #tpu.memory_space<hbm>>
      tpu.enqueue_dma source(%dma_start3A_23 : memref<1024x64xf32, #tpu.memory_space<hbm>>) target(%arg7 : memref<1024x64xf32, #tpu.memory_space<vmem>>) target_semaphore(%run_scoped3A_20 : memref<!tpu.dma_semaphore, #tpu.memory_space<semaphore_mem>>)
      %dma_wait3A = arith.constant 0 : i32
      %dma_wait3A_24 = tpu.memref_slice %arg3[%mul3A_2, %dma_wait3A] : memref<32768x64xf32, #tpu.memory_space<hbm>> -> memref<1024x64xf32, #tpu.memory_space<hbm>>
      %dma_wait3A_25 = arith.constant 0 : i32
      %dma_wait3A_26 = tpu.memref_slice %arg3[%mul3A_2, %dma_wait3A_25] : memref<32768x64xf32, #tpu.memory_space<hbm>> -> memref<1024x64xf32, #tpu.memory_space<hbm>>
      tpu.wait_dma2 semaphore(%run_scoped3A_20 : memref<!tpu.dma_semaphore, #tpu.memory_space<semaphore_mem>>) src(%dma_wait3A_26 : memref<1024x64xf32, #tpu.memory_space<hbm>>) dst(%arg7 : memref<1024x64xf32, #tpu.memory_space<vmem>>)
      tpu.yield
    }) : () -> ()
    %barrier3A = arith.constant 0 : index
    tpu.barrier barrier_id(%barrier3A)
    %run_scoped3A = arith.constant 0 : i32
    "tpu.region"() ({
      %run_scoped3A_20 = tpu.sem_alloc : memref<!tpu.dma_semaphore, #tpu.memory_space<semaphore_mem>>
      %dma_start3A = arith.constant 0 : i32
      %dma_start3A_21 = arith.constant 0 : i32
      %dma_start3A_22 = tpu.memref_slice %arg7[%dma_start3A, %dma_start3A_21] : memref<1024x64xf32, #tpu.memory_space<vmem>> -> memref<128x64xf32, #tpu.memory_space<vmem>>
      %dma_start3A_23 = arith.constant 0 : i32
      %dma_start3A_24 = tpu.memref_slice %arg6[%run_scoped3A, %dma_start3A_23] : memref<8x128xi32, #tpu.memory_space<vmem>> -> memref<1x128xi32, #tpu.memory_space<vmem>>
      %dma_start3A_25 = tpu.memref_squeeze %dma_start3A_24 : memref<1x128xi32, #tpu.memory_space<vmem>> -> memref<128xi32, #tpu.memory_space<vmem>>
      %dma_start3A_26 = arith.constant 0 : i32
      %dma_start3A_27 = arith.constant 0 : i32
      %dma_start3A_28 = tpu.memref_slice %arg8[%dma_start3A_26, %dma_start3A_27] : memref<1024x64xf32, #tpu.memory_space<vmem_shared>> -> memref<1024x64xf32, #tpu.memory_space<vmem_shared>>
      tpu.enqueue_indirect_dma source(%dma_start3A_22 : memref<128x64xf32, #tpu.memory_space<vmem>>) target(%dma_start3A_28 : memref<1024x64xf32, #tpu.memory_space<vmem_shared>>) offsets(%dma_start3A_25 : memref<128xi32, #tpu.memory_space<vmem>>) semaphore(%run_scoped3A_20 : memref<!tpu.dma_semaphore, #tpu.memory_space<semaphore_mem>>) {add = true}
      %dma_wait3A = arith.constant 0 : i32
      %dma_wait3A_29 = arith.constant 0 : i32
      %dma_wait3A_30 = tpu.memref_slice %arg7[%dma_wait3A, %dma_wait3A_29] : memref<1024x64xf32, #tpu.memory_space<vmem>> -> memref<128x64xf32, #tpu.memory_space<vmem>>
      %dma_wait3A_31 = arith.constant 0 : i32
      %dma_wait3A_32 = tpu.memref_slice %arg6[%run_scoped3A, %dma_wait3A_31] : memref<8x128xi32, #tpu.memory_space<vmem>> -> memref<1x128xi32, #tpu.memory_space<vmem>>
      %dma_wait3A_33 = tpu.memref_squeeze %dma_wait3A_32 : memref<1x128xi32, #tpu.memory_space<vmem>> -> memref<128xi32, #tpu.memory_space<vmem>>
      %dma_wait3A_34 = arith.constant 0 : i32
      %dma_wait3A_35 = arith.constant 0 : i32
      %dma_wait3A_36 = tpu.memref_slice %arg8[%dma_wait3A_34, %dma_wait3A_35] : memref<1024x64xf32, #tpu.memory_space<vmem_shared>> -> memref<1024x64xf32, #tpu.memory_space<vmem_shared>>
      tpu.wait_indirect_dma semaphore(%run_scoped3A_20 : memref<!tpu.dma_semaphore, #tpu.memory_space<semaphore_mem>>) src(%dma_wait3A_30 : memref<128x64xf32, #tpu.memory_space<vmem>>) dst(%dma_wait3A_36 : memref<1024x64xf32, #tpu.memory_space<vmem_shared>>)
      tpu.yield
    }) : () -> ()
    %run_scoped3A_7 = arith.constant 1 : i32
    "tpu.region"() ({
      %run_scoped3A_20 = tpu.sem_alloc : memref<!tpu.dma_semaphore, #tpu.memory_space<semaphore_mem>>
      %dma_start3A = arith.constant 128 : i32
      %dma_start3A_21 = arith.constant 0 : i32
      %dma_start3A_22 = tpu.memref_slice %arg7[%dma_start3A, %dma_start3A_21] : memref<1024x64xf32, #tpu.memory_space<vmem>> -> memref<128x64xf32, #tpu.memory_space<vmem>>
      %dma_start3A_23 = arith.constant 0 : i32
      %dma_start3A_24 = tpu.memref_slice %arg6[%run_scoped3A_7, %dma_start3A_23] : memref<8x128xi32, #tpu.memory_space<vmem>> -> memref<1x128xi32, #tpu.memory_space<vmem>>
      %dma_start3A_25 = tpu.memref_squeeze %dma_start3A_24 : memref<1x128xi32, #tpu.memory_space<vmem>> -> memref<128xi32, #tpu.memory_space<vmem>>
      %dma_start3A_26 = arith.constant 0 : i32
      %dma_start3A_27 = arith.constant 0 : i32
      %dma_start3A_28 = tpu.memref_slice %arg8[%dma_start3A_26, %dma_start3A_27] : memref<1024x64xf32, #tpu.memory_space<vmem_shared>> -> memref<1024x64xf32, #tpu.memory_space<vmem_shared>>
      tpu.enqueue_indirect_dma source(%dma_start3A_22 : memref<128x64xf32, #tpu.memory_space<vmem>>) target(%dma_start3A_28 : memref<1024x64xf32, #tpu.memory_space<vmem_shared>>) offsets(%dma_start3A_25 : memref<128xi32, #tpu.memory_space<vmem>>) semaphore(%run_scoped3A_20 : memref<!tpu.dma_semaphore, #tpu.memory_space<semaphore_mem>>) {add = true}
      %dma_wait3A = arith.constant 128 : i32
      %dma_wait3A_29 = arith.constant 0 : i32
      %dma_wait3A_30 = tpu.memref_slice %arg7[%dma_wait3A, %dma_wait3A_29] : memref<1024x64xf32, #tpu.memory_space<vmem>> -> memref<128x64xf32, #tpu.memory_space<vmem>>
      %dma_wait3A_31 = arith.constant 0 : i32
      %dma_wait3A_32 = tpu.memref_slice %arg6[%run_scoped3A_7, %dma_wait3A_31] : memref<8x128xi32, #tpu.memory_space<vmem>> -> memref<1x128xi32, #tpu.memory_space<vmem>>
      %dma_wait3A_33 = tpu.memref_squeeze %dma_wait3A_32 : memref<1x128xi32, #tpu.memory_space<vmem>> -> memref<128xi32, #tpu.memory_space<vmem>>
      %dma_wait3A_34 = arith.constant 0 : i32
      %dma_wait3A_35 = arith.constant 0 : i32
      %dma_wait3A_36 = tpu.memref_slice %arg8[%dma_wait3A_34, %dma_wait3A_35] : memref<1024x64xf32, #tpu.memory_space<vmem_shared>> -> memref<1024x64xf32, #tpu.memory_space<vmem_shared>>
      tpu.wait_indirect_dma semaphore(%run_scoped3A_20 : memref<!tpu.dma_semaphore, #tpu.memory_space<semaphore_mem>>) src(%dma_wait3A_30 : memref<128x64xf32, #tpu.memory_space<vmem>>) dst(%dma_wait3A_36 : memref<1024x64xf32, #tpu.memory_space<vmem_shared>>)
      tpu.yield
    }) : () -> ()
    %run_scoped3A_8 = arith.constant 2 : i32
    "tpu.region"() ({
      %run_scoped3A_20 = tpu.sem_alloc : memref<!tpu.dma_semaphore, #tpu.memory_space<semaphore_mem>>
      %dma_start3A = arith.constant 256 : i32
      %dma_start3A_21 = arith.constant 0 : i32
      %dma_start3A_22 = tpu.memref_slice %arg7[%dma_start3A, %dma_start3A_21] : memref<1024x64xf32, #tpu.memory_space<vmem>> -> memref<128x64xf32, #tpu.memory_space<vmem>>
      %dma_start3A_23 = arith.constant 0 : i32
      %dma_start3A_24 = tpu.memref_slice %arg6[%run_scoped3A_8, %dma_start3A_23] : memref<8x128xi32, #tpu.memory_space<vmem>> -> memref<1x128xi32, #tpu.memory_space<vmem>>
      %dma_start3A_25 = tpu.memref_squeeze %dma_start3A_24 : memref<1x128xi32, #tpu.memory_space<vmem>> -> memref<128xi32, #tpu.memory_space<vmem>>
      %dma_start3A_26 = arith.constant 0 : i32
      %dma_start3A_27 = arith.constant 0 : i32
      %dma_start3A_28 = tpu.memref_slice %arg8[%dma_start3A_26, %dma_start3A_27] : memref<1024x64xf32, #tpu.memory_space<vmem_shared>> -> memref<1024x64xf32, #tpu.memory_space<vmem_shared>>
      tpu.enqueue_indirect_dma source(%dma_start3A_22 : memref<128x64xf32, #tpu.memory_space<vmem>>) target(%dma_start3A_28 : memref<1024x64xf32, #tpu.memory_space<vmem_shared>>) offsets(%dma_start3A_25 : memref<128xi32, #tpu.memory_space<vmem>>) semaphore(%run_scoped3A_20 : memref<!tpu.dma_semaphore, #tpu.memory_space<semaphore_mem>>) {add = true}
      %dma_wait3A = arith.constant 256 : i32
      %dma_wait3A_29 = arith.constant 0 : i32
      %dma_wait3A_30 = tpu.memref_slice %arg7[%dma_wait3A, %dma_wait3A_29] : memref<1024x64xf32, #tpu.memory_space<vmem>> -> memref<128x64xf32, #tpu.memory_space<vmem>>
      %dma_wait3A_31 = arith.constant 0 : i32
      %dma_wait3A_32 = tpu.memref_slice %arg6[%run_scoped3A_8, %dma_wait3A_31] : memref<8x128xi32, #tpu.memory_space<vmem>> -> memref<1x128xi32, #tpu.memory_space<vmem>>
      %dma_wait3A_33 = tpu.memref_squeeze %dma_wait3A_32 : memref<1x128xi32, #tpu.memory_space<vmem>> -> memref<128xi32, #tpu.memory_space<vmem>>
      %dma_wait3A_34 = arith.constant 0 : i32
      %dma_wait3A_35 = arith.constant 0 : i32
      %dma_wait3A_36 = tpu.memref_slice %arg8[%dma_wait3A_34, %dma_wait3A_35] : memref<1024x64xf32, #tpu.memory_space<vmem_shared>> -> memref<1024x64xf32, #tpu.memory_space<vmem_shared>>
      tpu.wait_indirect_dma semaphore(%run_scoped3A_20 : memref<!tpu.dma_semaphore, #tpu.memory_space<semaphore_mem>>) src(%dma_wait3A_30 : memref<128x64xf32, #tpu.memory_space<vmem>>) dst(%dma_wait3A_36 : memref<1024x64xf32, #tpu.memory_space<vmem_shared>>)
      tpu.yield
    }) : () -> ()
    %run_scoped3A_9 = arith.constant 3 : i32
    "tpu.region"() ({
      %run_scoped3A_20 = tpu.sem_alloc : memref<!tpu.dma_semaphore, #tpu.memory_space<semaphore_mem>>
      %dma_start3A = arith.constant 384 : i32
      %dma_start3A_21 = arith.constant 0 : i32
      %dma_start3A_22 = tpu.memref_slice %arg7[%dma_start3A, %dma_start3A_21] : memref<1024x64xf32, #tpu.memory_space<vmem>> -> memref<128x64xf32, #tpu.memory_space<vmem>>
      %dma_start3A_23 = arith.constant 0 : i32
      %dma_start3A_24 = tpu.memref_slice %arg6[%run_scoped3A_9, %dma_start3A_23] : memref<8x128xi32, #tpu.memory_space<vmem>> -> memref<1x128xi32, #tpu.memory_space<vmem>>
      %dma_start3A_25 = tpu.memref_squeeze %dma_start3A_24 : memref<1x128xi32, #tpu.memory_space<vmem>> -> memref<128xi32, #tpu.memory_space<vmem>>
      %dma_start3A_26 = arith.constant 0 : i32
      %dma_start3A_27 = arith.constant 0 : i32
      %dma_start3A_28 = tpu.memref_slice %arg8[%dma_start3A_26, %dma_start3A_27] : memref<1024x64xf32, #tpu.memory_space<vmem_shared>> -> memref<1024x64xf32, #tpu.memory_space<vmem_shared>>
      tpu.enqueue_indirect_dma source(%dma_start3A_22 : memref<128x64xf32, #tpu.memory_space<vmem>>) target(%dma_start3A_28 : memref<1024x64xf32, #tpu.memory_space<vmem_shared>>) offsets(%dma_start3A_25 : memref<128xi32, #tpu.memory_space<vmem>>) semaphore(%run_scoped3A_20 : memref<!tpu.dma_semaphore, #tpu.memory_space<semaphore_mem>>) {add = true}
      %dma_wait3A = arith.constant 384 : i32
      %dma_wait3A_29 = arith.constant 0 : i32
      %dma_wait3A_30 = tpu.memref_slice %arg7[%dma_wait3A, %dma_wait3A_29] : memref<1024x64xf32, #tpu.memory_space<vmem>> -> memref<128x64xf32, #tpu.memory_space<vmem>>
      %dma_wait3A_31 = arith.constant 0 : i32
      %dma_wait3A_32 = tpu.memref_slice %arg6[%run_scoped3A_9, %dma_wait3A_31] : memref<8x128xi32, #tpu.memory_space<vmem>> -> memref<1x128xi32, #tpu.memory_space<vmem>>
      %dma_wait3A_33 = tpu.memref_squeeze %dma_wait3A_32 : memref<1x128xi32, #tpu.memory_space<vmem>> -> memref<128xi32, #tpu.memory_space<vmem>>
      %dma_wait3A_34 = arith.constant 0 : i32
      %dma_wait3A_35 = arith.constant 0 : i32
      %dma_wait3A_36 = tpu.memref_slice %arg8[%dma_wait3A_34, %dma_wait3A_35] : memref<1024x64xf32, #tpu.memory_space<vmem_shared>> -> memref<1024x64xf32, #tpu.memory_space<vmem_shared>>
      tpu.wait_indirect_dma semaphore(%run_scoped3A_20 : memref<!tpu.dma_semaphore, #tpu.memory_space<semaphore_mem>>) src(%dma_wait3A_30 : memref<128x64xf32, #tpu.memory_space<vmem>>) dst(%dma_wait3A_36 : memref<1024x64xf32, #tpu.memory_space<vmem_shared>>)
      tpu.yield
    }) : () -> ()
    %run_scoped3A_10 = arith.constant 4 : i32
    "tpu.region"() ({
      %run_scoped3A_20 = tpu.sem_alloc : memref<!tpu.dma_semaphore, #tpu.memory_space<semaphore_mem>>
      %dma_start3A = arith.constant 512 : i32
      %dma_start3A_21 = arith.constant 0 : i32
      %dma_start3A_22 = tpu.memref_slice %arg7[%dma_start3A, %dma_start3A_21] : memref<1024x64xf32, #tpu.memory_space<vmem>> -> memref<128x64xf32, #tpu.memory_space<vmem>>
      %dma_start3A_23 = arith.constant 0 : i32
      %dma_start3A_24 = tpu.memref_slice %arg6[%run_scoped3A_10, %dma_start3A_23] : memref<8x128xi32, #tpu.memory_space<vmem>> -> memref<1x128xi32, #tpu.memory_space<vmem>>
      %dma_start3A_25 = tpu.memref_squeeze %dma_start3A_24 : memref<1x128xi32, #tpu.memory_space<vmem>> -> memref<128xi32, #tpu.memory_space<vmem>>
      %dma_start3A_26 = arith.constant 0 : i32
      %dma_start3A_27 = arith.constant 0 : i32
      %dma_start3A_28 = tpu.memref_slice %arg8[%dma_start3A_26, %dma_start3A_27] : memref<1024x64xf32, #tpu.memory_space<vmem_shared>> -> memref<1024x64xf32, #tpu.memory_space<vmem_shared>>
      tpu.enqueue_indirect_dma source(%dma_start3A_22 : memref<128x64xf32, #tpu.memory_space<vmem>>) target(%dma_start3A_28 : memref<1024x64xf32, #tpu.memory_space<vmem_shared>>) offsets(%dma_start3A_25 : memref<128xi32, #tpu.memory_space<vmem>>) semaphore(%run_scoped3A_20 : memref<!tpu.dma_semaphore, #tpu.memory_space<semaphore_mem>>) {add = true}
      %dma_wait3A = arith.constant 512 : i32
      %dma_wait3A_29 = arith.constant 0 : i32
      %dma_wait3A_30 = tpu.memref_slice %arg7[%dma_wait3A, %dma_wait3A_29] : memref<1024x64xf32, #tpu.memory_space<vmem>> -> memref<128x64xf32, #tpu.memory_space<vmem>>
      %dma_wait3A_31 = arith.constant 0 : i32
      %dma_wait3A_32 = tpu.memref_slice %arg6[%run_scoped3A_10, %dma_wait3A_31] : memref<8x128xi32, #tpu.memory_space<vmem>> -> memref<1x128xi32, #tpu.memory_space<vmem>>
      %dma_wait3A_33 = tpu.memref_squeeze %dma_wait3A_32 : memref<1x128xi32, #tpu.memory_space<vmem>> -> memref<128xi32, #tpu.memory_space<vmem>>
      %dma_wait3A_34 = arith.constant 0 : i32
      %dma_wait3A_35 = arith.constant 0 : i32
      %dma_wait3A_36 = tpu.memref_slice %arg8[%dma_wait3A_34, %dma_wait3A_35] : memref<1024x64xf32, #tpu.memory_space<vmem_shared>> -> memref<1024x64xf32, #tpu.memory_space<vmem_shared>>
      tpu.wait_indirect_dma semaphore(%run_scoped3A_20 : memref<!tpu.dma_semaphore, #tpu.memory_space<semaphore_mem>>) src(%dma_wait3A_30 : memref<128x64xf32, #tpu.memory_space<vmem>>) dst(%dma_wait3A_36 : memref<1024x64xf32, #tpu.memory_space<vmem_shared>>)
      tpu.yield
    }) : () -> ()
    %run_scoped3A_11 = arith.constant 5 : i32
    "tpu.region"() ({
      %run_scoped3A_20 = tpu.sem_alloc : memref<!tpu.dma_semaphore, #tpu.memory_space<semaphore_mem>>
      %dma_start3A = arith.constant 640 : i32
      %dma_start3A_21 = arith.constant 0 : i32
      %dma_start3A_22 = tpu.memref_slice %arg7[%dma_start3A, %dma_start3A_21] : memref<1024x64xf32, #tpu.memory_space<vmem>> -> memref<128x64xf32, #tpu.memory_space<vmem>>
      %dma_start3A_23 = arith.constant 0 : i32
      %dma_start3A_24 = tpu.memref_slice %arg6[%run_scoped3A_11, %dma_start3A_23] : memref<8x128xi32, #tpu.memory_space<vmem>> -> memref<1x128xi32, #tpu.memory_space<vmem>>
      %dma_start3A_25 = tpu.memref_squeeze %dma_start3A_24 : memref<1x128xi32, #tpu.memory_space<vmem>> -> memref<128xi32, #tpu.memory_space<vmem>>
      %dma_start3A_26 = arith.constant 0 : i32
      %dma_start3A_27 = arith.constant 0 : i32
      %dma_start3A_28 = tpu.memref_slice %arg8[%dma_start3A_26, %dma_start3A_27] : memref<1024x64xf32, #tpu.memory_space<vmem_shared>> -> memref<1024x64xf32, #tpu.memory_space<vmem_shared>>
      tpu.enqueue_indirect_dma source(%dma_start3A_22 : memref<128x64xf32, #tpu.memory_space<vmem>>) target(%dma_start3A_28 : memref<1024x64xf32, #tpu.memory_space<vmem_shared>>) offsets(%dma_start3A_25 : memref<128xi32, #tpu.memory_space<vmem>>) semaphore(%run_scoped3A_20 : memref<!tpu.dma_semaphore, #tpu.memory_space<semaphore_mem>>) {add = true}
      %dma_wait3A = arith.constant 640 : i32
      %dma_wait3A_29 = arith.constant 0 : i32
      %dma_wait3A_30 = tpu.memref_slice %arg7[%dma_wait3A, %dma_wait3A_29] : memref<1024x64xf32, #tpu.memory_space<vmem>> -> memref<128x64xf32, #tpu.memory_space<vmem>>
      %dma_wait3A_31 = arith.constant 0 : i32
      %dma_wait3A_32 = tpu.memref_slice %arg6[%run_scoped3A_11, %dma_wait3A_31] : memref<8x128xi32, #tpu.memory_space<vmem>> -> memref<1x128xi32, #tpu.memory_space<vmem>>
      %dma_wait3A_33 = tpu.memref_squeeze %dma_wait3A_32 : memref<1x128xi32, #tpu.memory_space<vmem>> -> memref<128xi32, #tpu.memory_space<vmem>>
      %dma_wait3A_34 = arith.constant 0 : i32
      %dma_wait3A_35 = arith.constant 0 : i32
      %dma_wait3A_36 = tpu.memref_slice %arg8[%dma_wait3A_34, %dma_wait3A_35] : memref<1024x64xf32, #tpu.memory_space<vmem_shared>> -> memref<1024x64xf32, #tpu.memory_space<vmem_shared>>
      tpu.wait_indirect_dma semaphore(%run_scoped3A_20 : memref<!tpu.dma_semaphore, #tpu.memory_space<semaphore_mem>>) src(%dma_wait3A_30 : memref<128x64xf32, #tpu.memory_space<vmem>>) dst(%dma_wait3A_36 : memref<1024x64xf32, #tpu.memory_space<vmem_shared>>)
      tpu.yield
    }) : () -> ()
    %run_scoped3A_12 = arith.constant 6 : i32
    "tpu.region"() ({
      %run_scoped3A_20 = tpu.sem_alloc : memref<!tpu.dma_semaphore, #tpu.memory_space<semaphore_mem>>
      %dma_start3A = arith.constant 768 : i32
      %dma_start3A_21 = arith.constant 0 : i32
      %dma_start3A_22 = tpu.memref_slice %arg7[%dma_start3A, %dma_start3A_21] : memref<1024x64xf32, #tpu.memory_space<vmem>> -> memref<128x64xf32, #tpu.memory_space<vmem>>
      %dma_start3A_23 = arith.constant 0 : i32
      %dma_start3A_24 = tpu.memref_slice %arg6[%run_scoped3A_12, %dma_start3A_23] : memref<8x128xi32, #tpu.memory_space<vmem>> -> memref<1x128xi32, #tpu.memory_space<vmem>>
      %dma_start3A_25 = tpu.memref_squeeze %dma_start3A_24 : memref<1x128xi32, #tpu.memory_space<vmem>> -> memref<128xi32, #tpu.memory_space<vmem>>
      %dma_start3A_26 = arith.constant 0 : i32
      %dma_start3A_27 = arith.constant 0 : i32
      %dma_start3A_28 = tpu.memref_slice %arg8[%dma_start3A_26, %dma_start3A_27] : memref<1024x64xf32, #tpu.memory_space<vmem_shared>> -> memref<1024x64xf32, #tpu.memory_space<vmem_shared>>
      tpu.enqueue_indirect_dma source(%dma_start3A_22 : memref<128x64xf32, #tpu.memory_space<vmem>>) target(%dma_start3A_28 : memref<1024x64xf32, #tpu.memory_space<vmem_shared>>) offsets(%dma_start3A_25 : memref<128xi32, #tpu.memory_space<vmem>>) semaphore(%run_scoped3A_20 : memref<!tpu.dma_semaphore, #tpu.memory_space<semaphore_mem>>) {add = true}
      %dma_wait3A = arith.constant 768 : i32
      %dma_wait3A_29 = arith.constant 0 : i32
      %dma_wait3A_30 = tpu.memref_slice %arg7[%dma_wait3A, %dma_wait3A_29] : memref<1024x64xf32, #tpu.memory_space<vmem>> -> memref<128x64xf32, #tpu.memory_space<vmem>>
      %dma_wait3A_31 = arith.constant 0 : i32
      %dma_wait3A_32 = tpu.memref_slice %arg6[%run_scoped3A_12, %dma_wait3A_31] : memref<8x128xi32, #tpu.memory_space<vmem>> -> memref<1x128xi32, #tpu.memory_space<vmem>>
      %dma_wait3A_33 = tpu.memref_squeeze %dma_wait3A_32 : memref<1x128xi32, #tpu.memory_space<vmem>> -> memref<128xi32, #tpu.memory_space<vmem>>
      %dma_wait3A_34 = arith.constant 0 : i32
      %dma_wait3A_35 = arith.constant 0 : i32
      %dma_wait3A_36 = tpu.memref_slice %arg8[%dma_wait3A_34, %dma_wait3A_35] : memref<1024x64xf32, #tpu.memory_space<vmem_shared>> -> memref<1024x64xf32, #tpu.memory_space<vmem_shared>>
      tpu.wait_indirect_dma semaphore(%run_scoped3A_20 : memref<!tpu.dma_semaphore, #tpu.memory_space<semaphore_mem>>) src(%dma_wait3A_30 : memref<128x64xf32, #tpu.memory_space<vmem>>) dst(%dma_wait3A_36 : memref<1024x64xf32, #tpu.memory_space<vmem_shared>>)
      tpu.yield
    }) : () -> ()
    %run_scoped3A_13 = arith.constant 7 : i32
    "tpu.region"() ({
      %run_scoped3A_20 = tpu.sem_alloc : memref<!tpu.dma_semaphore, #tpu.memory_space<semaphore_mem>>
      %dma_start3A = arith.constant 896 : i32
      %dma_start3A_21 = arith.constant 0 : i32
      %dma_start3A_22 = tpu.memref_slice %arg7[%dma_start3A, %dma_start3A_21] : memref<1024x64xf32, #tpu.memory_space<vmem>> -> memref<128x64xf32, #tpu.memory_space<vmem>>
      %dma_start3A_23 = arith.constant 0 : i32
      %dma_start3A_24 = tpu.memref_slice %arg6[%run_scoped3A_13, %dma_start3A_23] : memref<8x128xi32, #tpu.memory_space<vmem>> -> memref<1x128xi32, #tpu.memory_space<vmem>>
      %dma_start3A_25 = tpu.memref_squeeze %dma_start3A_24 : memref<1x128xi32, #tpu.memory_space<vmem>> -> memref<128xi32, #tpu.memory_space<vmem>>
      %dma_start3A_26 = arith.constant 0 : i32
      %dma_start3A_27 = arith.constant 0 : i32
      %dma_start3A_28 = tpu.memref_slice %arg8[%dma_start3A_26, %dma_start3A_27] : memref<1024x64xf32, #tpu.memory_space<vmem_shared>> -> memref<1024x64xf32, #tpu.memory_space<vmem_shared>>
      tpu.enqueue_indirect_dma source(%dma_start3A_22 : memref<128x64xf32, #tpu.memory_space<vmem>>) target(%dma_start3A_28 : memref<1024x64xf32, #tpu.memory_space<vmem_shared>>) offsets(%dma_start3A_25 : memref<128xi32, #tpu.memory_space<vmem>>) semaphore(%run_scoped3A_20 : memref<!tpu.dma_semaphore, #tpu.memory_space<semaphore_mem>>) {add = true}
      %dma_wait3A = arith.constant 896 : i32
      %dma_wait3A_29 = arith.constant 0 : i32
      %dma_wait3A_30 = tpu.memref_slice %arg7[%dma_wait3A, %dma_wait3A_29] : memref<1024x64xf32, #tpu.memory_space<vmem>> -> memref<128x64xf32, #tpu.memory_space<vmem>>
      %dma_wait3A_31 = arith.constant 0 : i32
      %dma_wait3A_32 = tpu.memref_slice %arg6[%run_scoped3A_13, %dma_wait3A_31] : memref<8x128xi32, #tpu.memory_space<vmem>> -> memref<1x128xi32, #tpu.memory_space<vmem>>
      %dma_wait3A_33 = tpu.memref_squeeze %dma_wait3A_32 : memref<1x128xi32, #tpu.memory_space<vmem>> -> memref<128xi32, #tpu.memory_space<vmem>>
      %dma_wait3A_34 = arith.constant 0 : i32
      %dma_wait3A_35 = arith.constant 0 : i32
      %dma_wait3A_36 = tpu.memref_slice %arg8[%dma_wait3A_34, %dma_wait3A_35] : memref<1024x64xf32, #tpu.memory_space<vmem_shared>> -> memref<1024x64xf32, #tpu.memory_space<vmem_shared>>
      tpu.wait_indirect_dma semaphore(%run_scoped3A_20 : memref<!tpu.dma_semaphore, #tpu.memory_space<semaphore_mem>>) src(%dma_wait3A_30 : memref<128x64xf32, #tpu.memory_space<vmem>>) dst(%dma_wait3A_36 : memref<1024x64xf32, #tpu.memory_space<vmem_shared>>)
      tpu.yield
    }) : () -> ()
    %barrier3A_14 = arith.constant 0 : index
    tpu.barrier barrier_id(%barrier3A_14)
    %eq3A_15 = arith.constant 0 : i32
    %eq3A_16 = arith.cmpi eq, %arg1, %eq3A_15 : i32
    %convert_element_type3A_17 = arith.extui %eq3A_16 : i1 to i32
    %cond3A_18 = arith.constant 0 : i32
    %cond3A_19 = arith.cmpi ne, %convert_element_type3A_17, %cond3A_18 : i32
    scf.if %cond3A_19 {
      "tpu.region"() ({
        %run_scoped3A_20 = tpu.sem_alloc : memref<!tpu.dma_semaphore, #tpu.memory_space<semaphore_mem>>
        %dma_start3A = arith.constant 0 : i32
        %dma_start3A_21 = arith.constant 0 : i32
        %dma_start3A_22 = tpu.memref_slice %arg5[%arg0, %dma_start3A, %dma_start3A_21] : memref<2x1024x64xf32, #tpu.memory_space<hbm>> -> memref<1x1024x64xf32, #tpu.memory_space<hbm>>
        %dma_start3A_23 = tpu.memref_squeeze %dma_start3A_22 : memref<1x1024x64xf32, #tpu.memory_space<hbm>> -> memref<1024x64xf32, #tpu.memory_space<hbm>>
        tpu.enqueue_dma source(%arg8 : memref<1024x64xf32, #tpu.memory_space<vmem_shared>>) target(%dma_start3A_23 : memref<1024x64xf32, #tpu.memory_space<hbm>>) target_semaphore(%run_scoped3A_20 : memref<!tpu.dma_semaphore, #tpu.memory_space<semaphore_mem>>)
        %dma_wait3A = arith.constant 0 : i32
        %dma_wait3A_24 = arith.constant 0 : i32
        %dma_wait3A_25 = tpu.memref_slice %arg5[%arg0, %dma_wait3A, %dma_wait3A_24] : memref<2x1024x64xf32, #tpu.memory_space<hbm>> -> memref<1x1024x64xf32, #tpu.memory_space<hbm>>
        %dma_wait3A_26 = tpu.memref_squeeze %dma_wait3A_25 : memref<1x1024x64xf32, #tpu.memory_space<hbm>> -> memref<1024x64xf32, #tpu.memory_space<hbm>>
        tpu.wait_dma2 semaphore(%run_scoped3A_20 : memref<!tpu.dma_semaphore, #tpu.memory_space<semaphore_mem>>) src(%arg8 : memref<1024x64xf32, #tpu.memory_space<vmem_shared>>) dst(%dma_wait3A_26 : memref<1024x64xf32, #tpu.memory_space<hbm>>)
        tpu.yield
      }) : () -> ()
    } else {
    }
    return
  }
}

module attributes {stable_mosaic.version = 14 : i64} {
  func.func @_main_body(%arg0: i32, %arg1: memref<4096x64xf32, #tpu.memory_space<vmem>>, %arg2: memref<64x1024xf32, #tpu.memory_space<vmem>>, %arg3: memref<4096x64xf32, #tpu.memory_space<vmem>>, %arg4: memref<4096xi32, #tpu.memory_space<vmem>>, %arg5: memref<32x128xi32, #tpu.memory_space<vmem>>, %arg6: memref<1x1xf32, #tpu.memory_space<vmem>>, %arg7: memref<1x1024xf32, #tpu.memory_space<vmem>>, %arg8: memref<1x1024xf32, #tpu.memory_space<vmem>>, %arg9: memref<1x1xf32, #tpu.memory_space<vmem>>) attributes {dimension_semantics = [#tpu.dimension_semantics<arbitrary>], iteration_bounds = array<i64: 8>, scalar_prefetch = 0 : i64, scratch_operands = 2 : i64, tpu.core_type = #tpu.core_type<tc>, window_params = [{transform_indices = @transform_0, window_bounds = array<i64: 4096, 64>}, {pipeline_mode = #tpu.pipeline_mode<synchronous>, transform_indices = @transform_1, window_bounds = array<i64: 64, 1024>}, {transform_indices = @transform_2, window_bounds = array<i64: 4096, 64>}, {transform_indices = @transform_3, window_bounds = array<i64: 4096>}, {transform_indices = @transform_4, window_bounds = array<i64: 32, 128>}, {pipeline_mode = #tpu.pipeline_mode<synchronous>, transform_indices = @transform_5, window_bounds = array<i64: 1, 1>}, {pipeline_mode = #tpu.pipeline_mode<synchronous>, transform_indices = @transform_6, window_bounds = array<i64: 1, 1024>}]} {
    %get3A = arith.constant 0 : index
    %get3A_0 = arith.constant 0 : index
    %get3A_1 = vector.load %arg1[%get3A, %get3A_0] : memref<4096x64xf32, #tpu.memory_space<vmem>>, vector<4096x64xf32>
    %get3A_2 = arith.constant 0 : index
    %get3A_3 = arith.constant 0 : index
    %get3A_4 = vector.load %arg2[%get3A_2, %get3A_3] : memref<64x1024xf32, #tpu.memory_space<vmem>>, vector<64x1024xf32>
    %mul3A = arith.mulf %get3A_1, %get3A_1 : vector<4096x64xf32>
    %reduce_sum3A = arith.constant dense<0.000000e+00> : vector<4096xf32>
    %reduce_sum3A_5 = vector.multi_reduction <add>, %mul3A, %reduce_sum3A [1] : vector<4096x64xf32> to vector<4096xf32>
    %broadcast_in_dim3A = vector.shape_cast %reduce_sum3A_5 : vector<4096xf32> to vector<4096x1xf32>
    %mul3A_6 = arith.mulf %get3A_4, %get3A_4 : vector<64x1024xf32>
    %reduce_sum3A_7 = arith.constant dense<0.000000e+00> : vector<1024xf32>
    %reduce_sum3A_8 = vector.multi_reduction <add>, %mul3A_6, %reduce_sum3A_7 [0] : vector<64x1024xf32> to vector<1024xf32>
    %broadcast_in_dim3A_9 = vector.shape_cast %reduce_sum3A_8 : vector<1024xf32> to vector<1x1024xf32>
    %dot_general3A = arith.constant dense<0.000000e+00> : vector<4096x1024xf32>
    %dot_general3A_10 = tpu.matmul %get3A_1, %get3A_4, %dot_general3A {dimension_numbers = #tpu.dot_dimension_numbers<[1], [0], [0], [1], [0, 0, 1, 1], [], []>, transpose_lhs_hint = false} : vector<4096x64xf32>, vector<64x1024xf32>, vector<4096x1024xf32> -> vector<4096x1024xf32>
    %add3A = vector.broadcast %broadcast_in_dim3A : vector<4096x1xf32> to vector<4096x1024xf32>
    %add3A_11 = vector.broadcast %broadcast_in_dim3A_9 : vector<1x1024xf32> to vector<4096x1024xf32>
    %add3A_12 = arith.addf %add3A, %add3A_11 : vector<4096x1024xf32>
    %mul3A_13 = arith.constant 2.000000e+00 : f32
    %mul3A_14 = vector.broadcast %mul3A_13 : f32 to vector<4096x1024xf32>
    %mul3A_15 = arith.mulf %mul3A_14, %dot_general3A_10 : vector<4096x1024xf32>
    %sub3A = arith.subf %add3A_12, %mul3A_15 : vector<4096x1024xf32>
    %reduce_min3A = arith.constant dense<0x7F800000> : vector<4096xf32>
    %reduce_min3A_16 = vector.multi_reduction <minimumf>, %sub3A, %reduce_min3A [1] : vector<4096x1024xf32> to vector<4096xf32>
    %broadcast_in_dim3A_17 = vector.shape_cast %reduce_min3A_16 : vector<4096xf32> to vector<4096x1xf32>
    %iota3A = tpu.iota {dimensions = array<i32: 1>} : vector<4096x1024xi32>
    %eq3A = vector.broadcast %broadcast_in_dim3A_17 : vector<4096x1xf32> to vector<4096x1024xf32>
    %eq3A_18 = arith.cmpf oeq, %sub3A, %eq3A : vector<4096x1024xf32>
    %jit3A = arith.constant 1024 : i32
    %broadcast_in_dim3A_19 = vector.broadcast %jit3A : i32 to vector<4096x1024xi32>
    %select_n3A = arith.select %eq3A_18, %iota3A, %broadcast_in_dim3A_19 : vector<4096x1024xi1>, vector<4096x1024xi32>
    %reduce_min3A_20 = arith.constant dense<2147483647> : vector<4096xi32>
    %reduce_min3A_21 = vector.multi_reduction <minsi>, %select_n3A, %reduce_min3A_20 [1] : vector<4096x1024xi32> to vector<4096xi32>
    %swap3A = arith.constant 0 : index
    %swap3A_22 = vector.load %arg4[%swap3A] : memref<4096xi32, #tpu.memory_space<vmem>>, vector<4096xi32>
    tpu.vector_store %arg4[%swap3A], %reduce_min3A_21 {strides = array<i32>} : memref<4096xi32, #tpu.memory_space<vmem>>, vector<4096xi32>,
    %reshape3A = vector.shape_cast %reduce_min3A_21 : vector<4096xi32> to vector<32x128xi32>
    %swap3A_23 = arith.constant 0 : index
    %swap3A_24 = arith.constant 0 : index
    %swap3A_25 = vector.load %arg5[%swap3A_23, %swap3A_24] : memref<32x128xi32, #tpu.memory_space<vmem>>, vector<32x128xi32>
    tpu.vector_store %arg5[%swap3A_23, %swap3A_24], %reshape3A {strides = array<i32>} : memref<32x128xi32, #tpu.memory_space<vmem>>, vector<32x128xi32>,
    %broadcast_in_dim3A_26 = vector.shape_cast %reduce_min3A_21 : vector<4096xi32> to vector<4096x1xi32>
    %eq3A_27 = vector.broadcast %broadcast_in_dim3A_26 : vector<4096x1xi32> to vector<4096x1024xi32>
    %eq3A_28 = arith.cmpi eq, %iota3A, %eq3A_27 : vector<4096x1024xi32>
    %convert_element_type3A = arith.extui %eq3A_28 : vector<4096x1024xi1> to vector<4096x1024xi32>
    %convert_element_type3A_29 = arith.sitofp %convert_element_type3A : vector<4096x1024xi32> to vector<4096x1024xf32>
    %dot_general3A_30 = arith.constant dense<0.000000e+00> : vector<4096x64xf32>
    %dot_general3A_31 = tpu.matmul %convert_element_type3A_29, %get3A_4, %dot_general3A_30 {dimension_numbers = #tpu.dot_dimension_numbers<[1], [1], [0], [0], [0, 0, 1, 0], [], []>, transpose_lhs_hint = false} : vector<4096x1024xf32>, vector<64x1024xf32>, vector<4096x64xf32> -> vector<4096x64xf32>
    %sub3A_32 = arith.subf %dot_general3A_31, %get3A_1 : vector<4096x64xf32>
    %add3A_33 = arith.addf %get3A_1, %sub3A_32 : vector<4096x64xf32>
    %swap3A_34 = arith.constant 0 : index
    %swap3A_35 = arith.constant 0 : index
    %swap3A_36 = vector.load %arg3[%swap3A_34, %swap3A_35] : memref<4096x64xf32, #tpu.memory_space<vmem>>, vector<4096x64xf32>
    tpu.vector_store %arg3[%swap3A_34, %swap3A_35], %add3A_33 {strides = array<i32>} : memref<4096x64xf32, #tpu.memory_space<vmem>>, vector<4096x64xf32>,
    %sub3A_37 = arith.subf %dot_general3A_31, %get3A_1 : vector<4096x64xf32>
    %integer_pow3A = arith.mulf %sub3A_37, %sub3A_37 : vector<4096x64xf32>
    %reduce_sum3A_38 = vector.shape_cast %integer_pow3A : vector<4096x64xf32> to vector<1x4096x64xf32>
    %reduce_sum3A_39 = arith.constant dense<0.000000e+00> : vector<1xf32>
    %reduce_sum3A_40 = vector.multi_reduction <add>, %reduce_sum3A_38, %reduce_sum3A_39 [1, 2] : vector<1x4096x64xf32> to vector<1xf32>
    %reduce_sum3A_41 = vector.shape_cast %reduce_sum3A_40 : vector<1xf32> to vector<1x1x1xf32>
    %reduce_sum3A_42 = vector.extract %reduce_sum3A_41[0, 0, 0] : f32 from vector<1x1x1xf32>
    %reshape3A_43 = vector.broadcast %reduce_sum3A_42 : f32 to vector<1x1xf32>
    %broadcast_in_dim3A_44 = arith.constant 1.000000e+00 : f32
    %broadcast_in_dim3A_45 = vector.broadcast %broadcast_in_dim3A_44 : f32 to vector<1x4096xf32>
    %dot_general3A_46 = arith.constant dense<0.000000e+00> : vector<1x1024xf32>
    %dot_general3A_47 = tpu.matmul %broadcast_in_dim3A_45, %convert_element_type3A_29, %dot_general3A_46 {dimension_numbers = #tpu.dot_dimension_numbers<[1], [0], [0], [1], [0, 0, 1, 1], [], []>, transpose_lhs_hint = false} : vector<1x4096xf32>, vector<4096x1024xf32>, vector<1x1024xf32> -> vector<1x1024xf32>
    %eq3A_48 = arith.constant 0 : i32
    %eq3A_49 = arith.cmpi eq, %arg0, %eq3A_48 : i32
    %convert_element_type3A_50 = arith.extui %eq3A_49 : i1 to i32
    %cond3A = arith.constant 0 : i32
    %cond3A_51 = arith.cmpi ne, %convert_element_type3A_50, %cond3A : i32
    scf.if %cond3A_51 {
      %swap3A_61 = arith.constant 0 : index
      %swap3A_62 = arith.constant 0 : index
      %swap3A_63 = vector.load %arg8[%swap3A_61, %swap3A_62] : memref<1x1024xf32, #tpu.memory_space<vmem>>, vector<1x1024xf32>
      tpu.vector_store %arg8[%swap3A_61, %swap3A_62], %dot_general3A_47 {strides = array<i32>} : memref<1x1024xf32, #tpu.memory_space<vmem>>, vector<1x1024xf32>,
      %swap3A_64 = arith.constant 0 : index
      %swap3A_65 = arith.constant 0 : index
      %swap3A_66 = vector.load %arg9[%swap3A_64, %swap3A_65] : memref<1x1xf32, #tpu.memory_space<vmem>>, vector<1x1xf32>
      tpu.vector_store %arg9[%swap3A_64, %swap3A_65], %reshape3A_43 {strides = array<i32>} : memref<1x1xf32, #tpu.memory_space<vmem>>, vector<1x1xf32>,
    } else {
    }
    %gt3A = arith.constant 0 : i32
    %gt3A_52 = arith.cmpi sgt, %arg0, %gt3A : i32
    %convert_element_type3A_53 = arith.extui %gt3A_52 : i1 to i32
    %cond3A_54 = arith.constant 0 : i32
    %cond3A_55 = arith.cmpi ne, %convert_element_type3A_53, %cond3A_54 : i32
    scf.if %cond3A_55 {
      %get3A_61 = arith.constant 0 : index
      %get3A_62 = arith.constant 0 : index
      %get3A_63 = vector.load %arg8[%get3A_61, %get3A_62] : memref<1x1024xf32, #tpu.memory_space<vmem>>, vector<1x1024xf32>
      %add3A_64 = arith.addf %get3A_63, %dot_general3A_47 : vector<1x1024xf32>
      %swap3A_65 = arith.constant 0 : index
      %swap3A_66 = arith.constant 0 : index
      %swap3A_67 = vector.load %arg8[%swap3A_65, %swap3A_66] : memref<1x1024xf32, #tpu.memory_space<vmem>>, vector<1x1024xf32>
      tpu.vector_store %arg8[%swap3A_65, %swap3A_66], %add3A_64 {strides = array<i32>} : memref<1x1024xf32, #tpu.memory_space<vmem>>, vector<1x1024xf32>,
      %get3A_68 = arith.constant 0 : index
      %get3A_69 = arith.constant 0 : index
      %get3A_70 = vector.load %arg9[%get3A_68, %get3A_69] : memref<1x1xf32, #tpu.memory_space<vmem>>, vector<1x1xf32>
      %add3A_71 = arith.addf %get3A_70, %reshape3A_43 : vector<1x1xf32>
      %swap3A_72 = arith.constant 0 : index
      %swap3A_73 = arith.constant 0 : index
      %swap3A_74 = vector.load %arg9[%swap3A_72, %swap3A_73] : memref<1x1xf32, #tpu.memory_space<vmem>>, vector<1x1xf32>
      tpu.vector_store %arg9[%swap3A_72, %swap3A_73], %add3A_71 {strides = array<i32>} : memref<1x1xf32, #tpu.memory_space<vmem>>, vector<1x1xf32>,
    } else {
    }
    %eq3A_56 = arith.constant 7 : i32
    %eq3A_57 = arith.cmpi eq, %arg0, %eq3A_56 : i32
    %convert_element_type3A_58 = arith.extui %eq3A_57 : i1 to i32
    %cond3A_59 = arith.constant 0 : i32
    %cond3A_60 = arith.cmpi ne, %convert_element_type3A_58, %cond3A_59 : i32
    scf.if %cond3A_60 {
      %get3A_61 = arith.constant 0 : index
      %get3A_62 = arith.constant 0 : index
      %get3A_63 = vector.load %arg8[%get3A_61, %get3A_62] : memref<1x1024xf32, #tpu.memory_space<vmem>>, vector<1x1024xf32>
      %swap3A_64 = arith.constant 0 : index
      %swap3A_65 = arith.constant 0 : index
      %swap3A_66 = vector.load %arg7[%swap3A_64, %swap3A_65] : memref<1x1024xf32, #tpu.memory_space<vmem>>, vector<1x1024xf32>
      tpu.vector_store %arg7[%swap3A_64, %swap3A_65], %get3A_63 {strides = array<i32>} : memref<1x1024xf32, #tpu.memory_space<vmem>>, vector<1x1024xf32>,
      %get3A_67 = arith.constant 0 : index
      %get3A_68 = arith.constant 0 : index
      %get3A_69 = vector.load %arg9[%get3A_67, %get3A_68] : memref<1x1xf32, #tpu.memory_space<vmem>>, vector<1x1xf32>
      %mul3A_70 = arith.constant 2.500000e-01 : f32
      %mul3A_71 = vector.broadcast %mul3A_70 : f32 to vector<1x1xf32>
      %mul3A_72 = arith.mulf %mul3A_71, %get3A_69 : vector<1x1xf32>
      %mul3A_73 = arith.constant 4.76837158E-7 : f32
      %mul3A_74 = vector.broadcast %mul3A_73 : f32 to vector<1x1xf32>
      %mul3A_75 = arith.mulf %mul3A_72, %mul3A_74 : vector<1x1xf32>
      %swap3A_76 = arith.constant 0 : index
      %swap3A_77 = arith.constant 0 : index
      %swap3A_78 = vector.load %arg6[%swap3A_76, %swap3A_77] : memref<1x1xf32, #tpu.memory_space<vmem>>, vector<1x1xf32>
      tpu.vector_store %arg6[%swap3A_76, %swap3A_77], %mul3A_75 {strides = array<i32>} : memref<1x1xf32, #tpu.memory_space<vmem>>, vector<1x1xf32>,
    } else {
    }
    return
  }
  func.func @transform_0(%arg0: i32) -> (i32, i32) {
    %c0_i32 = arith.constant 0 : i32
    %c0_i32_0 = arith.constant 0 : i32
    return %arg0, %c0_i32 : i32, i32
  }
  func.func @transform_1(%arg0: i32) -> (i32, i32) {
    %c0_i32 = arith.constant 0 : i32
    %c0_i32_0 = arith.constant 0 : i32
    %c0_i32_1 = arith.constant 0 : i32
    return %c0_i32, %c0_i32_0 : i32, i32
  }
  func.func @transform_2(%arg0: i32) -> (i32, i32) {
    %c0_i32 = arith.constant 0 : i32
    %c0_i32_0 = arith.constant 0 : i32
    return %arg0, %c0_i32 : i32, i32
  }
  func.func @transform_3(%arg0: i32) -> i32 {
    %c0_i32 = arith.constant 0 : i32
    return %arg0 : i32
  }
  func.func @transform_4(%arg0: i32) -> (i32, i32) {
    %c0_i32 = arith.constant 0 : i32
    %c0_i32_0 = arith.constant 0 : i32
    return %arg0, %c0_i32 : i32, i32
  }
  func.func @transform_5(%arg0: i32) -> (i32, i32) {
    %c0_i32 = arith.constant 0 : i32
    %c0_i32_0 = arith.constant 0 : i32
    %c0_i32_1 = arith.constant 0 : i32
    return %c0_i32, %c0_i32_0 : i32, i32
  }
  func.func @transform_6(%arg0: i32) -> (i32, i32) {
    %c0_i32 = arith.constant 0 : i32
    %c0_i32_0 = arith.constant 0 : i32
    %c0_i32_1 = arith.constant 0 : i32
    return %c0_i32, %c0_i32_0 : i32, i32
  }
}

module attributes {stable_mosaic.version = 14 : i64} {
  func.func @_fin_body(%arg0: memref<1x1024xf32, #tpu.memory_space<vmem>>, %arg1: memref<2x1024x64xf32, #tpu.memory_space<vmem>>, %arg2: memref<1024xf32, #tpu.memory_space<vmem>>, %arg3: memref<64x1024xf32, #tpu.memory_space<vmem>>, %arg4: memref<1x1xf32, #tpu.memory_space<vmem>>, %arg5: memref<64x1024xf32, #tpu.memory_space<vmem>>, %arg6: memref<1024xf32, #tpu.memory_space<vmem>>, %arg7: memref<64x1024xf32, #tpu.memory_space<vmem>>) attributes {dimension_semantics = [], scalar_prefetch = 0 : i64, scratch_operands = 0 : i64, tpu.core_type = #tpu.core_type<tc>} {
    %get3A = arith.constant 0 : index
    %get3A_0 = arith.constant 0 : index
    %get3A_1 = vector.load %arg0[%get3A, %get3A_0] : memref<1x1024xf32, #tpu.memory_space<vmem>>, vector<1x1024xf32>
    %reshape3A = vector.shape_cast %get3A_1 : vector<1x1024xf32> to vector<1024xf32>
    %mul3A = arith.constant 1.000000e-01 : f32
    %mul3A_2 = vector.broadcast %mul3A : f32 to vector<1024xf32>
    %mul3A_3 = arith.mulf %mul3A_2, %reshape3A : vector<1024xf32>
    %get3A_4 = arith.constant 0 : index
    %get3A_5 = vector.load %arg2[%get3A_4] : memref<1024xf32, #tpu.memory_space<vmem>>, vector<1024xf32>
    %mul3A_6 = arith.constant 0.899999976 : f32
    %mul3A_7 = vector.broadcast %mul3A_6 : f32 to vector<1024xf32>
    %mul3A_8 = arith.mulf %mul3A_7, %get3A_5 : vector<1024xf32>
    %add3A = arith.addf %mul3A_3, %mul3A_8 : vector<1024xf32>
    %reduce_sum3A = vector.shape_cast %add3A : vector<1024xf32> to vector<1x1024xf32>
    %reduce_sum3A_9 = arith.constant dense<0.000000e+00> : vector<1xf32>
    %reduce_sum3A_10 = vector.multi_reduction <add>, %reduce_sum3A, %reduce_sum3A_9 [1] : vector<1x1024xf32> to vector<1xf32>
    %reduce_sum3A_11 = vector.shape_cast %reduce_sum3A_10 : vector<1xf32> to vector<1x1xf32>
    %reduce_sum3A_12 = vector.extract %reduce_sum3A_11[0, 0] : f32 from vector<1x1xf32>
    %add3A_13 = arith.constant 9.99999968E-21 : f32
    %add3A_14 = vector.broadcast %add3A_13 : f32 to vector<1024xf32>
    %add3A_15 = arith.addf %add3A, %add3A_14 : vector<1024xf32>
    %add3A_16 = arith.constant 1.024000e-17 : f32
    %add3A_17 = arith.addf %reduce_sum3A_12, %add3A_16 : f32
    %div3A = vector.broadcast %add3A_17 : f32 to vector<1024xf32>
    %div3A_18 = arith.divf %add3A_15, %div3A : vector<1024xf32>
    %mul3A_19 = vector.broadcast %reduce_sum3A_12 : f32 to vector<1024xf32>
    %mul3A_20 = arith.mulf %div3A_18, %mul3A_19 : vector<1024xf32>
    %get3A_21 = arith.constant 0 : index
    %get3A_22 = arith.constant 0 : index
    %get3A_23 = arith.constant 0 : index
    %get3A_24 = vector.load %arg1[%get3A_21, %get3A_22, %get3A_23] : memref<2x1024x64xf32, #tpu.memory_space<vmem>>, vector<2x1024x64xf32>
    %slice3A = vector.extract_strided_slice %get3A_24 {offsets = [0, 0, 0], sizes = [1, 1024, 64], strides = [1, 1, 1]} : vector<2x1024x64xf32> to vector<1x1024x64xf32>
    %squeeze3A = vector.shape_cast %slice3A : vector<1x1024x64xf32> to vector<1024x64xf32>
    %slice3A_25 = vector.extract_strided_slice %get3A_24 {offsets = [1, 0, 0], sizes = [1, 1024, 64], strides = [1, 1, 1]} : vector<2x1024x64xf32> to vector<1x1024x64xf32>
    %squeeze3A_26 = vector.shape_cast %slice3A_25 : vector<1x1024x64xf32> to vector<1024x64xf32>
    %add3A_27 = arith.addf %squeeze3A, %squeeze3A_26 : vector<1024x64xf32>
    %transpose3A = tpu.transpose %add3A_27, [1, 0] : vector<1024x64xf32> -> vector<64x1024xf32>
    %mul3A_28 = arith.constant 1.000000e-01 : f32
    %mul3A_29 = vector.broadcast %mul3A_28 : f32 to vector<64x1024xf32>
    %mul3A_30 = arith.mulf %mul3A_29, %transpose3A : vector<64x1024xf32>
    %get3A_31 = arith.constant 0 : index
    %get3A_32 = arith.constant 0 : index
    %get3A_33 = vector.load %arg3[%get3A_31, %get3A_32] : memref<64x1024xf32, #tpu.memory_space<vmem>>, vector<64x1024xf32>
    %mul3A_34 = arith.constant 0.899999976 : f32
    %mul3A_35 = vector.broadcast %mul3A_34 : f32 to vector<64x1024xf32>
    %mul3A_36 = arith.mulf %mul3A_35, %get3A_33 : vector<64x1024xf32>
    %add3A_37 = arith.addf %mul3A_30, %mul3A_36 : vector<64x1024xf32>
    %swap3A = arith.constant 0 : index
    %swap3A_38 = vector.load %arg6[%swap3A] : memref<1024xf32, #tpu.memory_space<vmem>>, vector<1024xf32>
    tpu.vector_store %arg6[%swap3A], %add3A {strides = array<i32>} : memref<1024xf32, #tpu.memory_space<vmem>>, vector<1024xf32>,
    %swap3A_39 = arith.constant 0 : index
    %swap3A_40 = arith.constant 0 : index
    %swap3A_41 = vector.load %arg7[%swap3A_39, %swap3A_40] : memref<64x1024xf32, #tpu.memory_space<vmem>>, vector<64x1024xf32>
    tpu.vector_store %arg7[%swap3A_39, %swap3A_40], %add3A_37 {strides = array<i32>} : memref<64x1024xf32, #tpu.memory_space<vmem>>, vector<64x1024xf32>,
    %broadcast_in_dim3A = vector.shape_cast %mul3A_20 : vector<1024xf32> to vector<1x1024xf32>
    %div3A_42 = vector.broadcast %broadcast_in_dim3A : vector<1x1024xf32> to vector<64x1024xf32>
    %div3A_43 = arith.divf %add3A_37, %div3A_42 : vector<64x1024xf32>
    %swap3A_44 = arith.constant 0 : index
    %swap3A_45 = arith.constant 0 : index
    %swap3A_46 = vector.load %arg5[%swap3A_44, %swap3A_45] : memref<64x1024xf32, #tpu.memory_space<vmem>>, vector<64x1024xf32>
    tpu.vector_store %arg5[%swap3A_44, %swap3A_45], %div3A_43 {strides = array<i32>} : memref<64x1024xf32, #tpu.memory_space<vmem>>, vector<64x1024xf32>,
    %mul3A_47 = arith.constant 3.05175781E-5 : f32
    %mul3A_48 = vector.broadcast %mul3A_47 : f32 to vector<1024xf32>
    %mul3A_49 = arith.mulf %reshape3A, %mul3A_48 : vector<1024xf32>
    %add3A_50 = arith.constant 9.99999968E-21 : f32
    %add3A_51 = vector.broadcast %add3A_50 : f32 to vector<1024xf32>
    %add3A_52 = arith.addf %mul3A_49, %add3A_51 : vector<1024xf32>
    %log3A = math.log %add3A_52 : vector<1024xf32>
    %mul3A_53 = arith.mulf %mul3A_49, %log3A : vector<1024xf32>
    %reduce_sum3A_54 = vector.shape_cast %mul3A_53 : vector<1024xf32> to vector<1x1024xf32>
    %reduce_sum3A_55 = arith.constant dense<0.000000e+00> : vector<1xf32>
    %reduce_sum3A_56 = vector.multi_reduction <add>, %reduce_sum3A_54, %reduce_sum3A_55 [1] : vector<1x1024xf32> to vector<1xf32>
    %reduce_sum3A_57 = vector.shape_cast %reduce_sum3A_56 : vector<1xf32> to vector<1x1xf32>
    %reduce_sum3A_58 = vector.extract %reduce_sum3A_57[0, 0] : f32 from vector<1x1xf32>
    %neg3A = arith.constant 0.000000e+00 : f32
    %neg3A_59 = arith.subf %neg3A, %reduce_sum3A_58 : f32
    %exp3A = math.exp %neg3A_59 : f32
    %reshape3A_60 = vector.broadcast %exp3A : f32 to vector<1x1xf32>
    %swap3A_61 = arith.constant 0 : index
    %swap3A_62 = arith.constant 0 : index
    %swap3A_63 = vector.load %arg4[%swap3A_61, %swap3A_62] : memref<1x1xf32, #tpu.memory_space<vmem>>, vector<1x1xf32>
    tpu.vector_store %arg4[%swap3A_61, %swap3A_62], %reshape3A_60 {strides = array<i32>} : memref<1x1xf32, #tpu.memory_space<vmem>>, vector<1x1xf32>,
    return
  }
}

</mosaic_0001>

<sc_bundles>
// kernel: kernel.5.cloned.1.call-start
scs
__scs_entry_jumppad:
0x0: {  	(pc) =	sbr.rel $0x88, $3  }
0x1: {  	(tag) =	ssettag $0x0;
	lr =	simm.s32 $0x1  }
0x2: {  	[smem:$0x3F9D] =	sst lr;
	_ =	strace $0xD0000000  }
0x3: {  	_ = 	snop  }
0x4: {  	_ = 	snop  }
0x5: {  	_ = 	snop  }
0x6: {  	_ = 	snop  }
0x7: {  	_ = 	snop  }
__scs_overlays_trampoline_lowered:
0x8: {  	[smem:$0x3FAC] =	sst s0  }
0x9: {  	[smem:$0x3FAD] =	sst s1  }
0xa: {  	[smem:$0x3FAE] =	sst s2  }
0xb: {  	[smem:$0x3FAF] =	sst s3  }
0xc: {  	[smem:$0x3FB0] =	sst s4  }
0xd: {  	[smem:$0x3FB1] =	sst s5  }
0xe: {  	[smem:$0x3FB2] =	sst s6  }
0xf: {  	[smem:$0x3FB3] =	sst s7  }
0x10: {  	[smem:$0x3FB4] =	sst s8  }
0x11: {  	[smem:$0x3FB5] =	sst s9;
	s0 =	simm.s32 @!p0 $0x0  }
0x12: {  	s1 =	sld [smem:$0x3F9B];
	s0 =	simm.s32 @p0 $0x1  }
0x13: {  	[smem:$0x3FB6] =	sst s0;
	s0 =	simm.s32 @!p1 $0x0  }
0x14: {  	s2 =	sld [smem:$0x3F9A];
	s0 =	simm.s32 @p1 $0x1  }
0x15: {  	[smem:$0x3FB7] =	sst s0;
	s0 =	simm.s32 @!p2 $0x0  }
0x16: {  	s3 =	sld [smem:$0x3FDB];
	s0 =	simm.s32 @p2 $0x1  }
0x17: {  	s4 =	simm.s32 $0x1BF5;
	[smem:$0x3FB9] =	sst s0  }
0x18: {  	s0 =	sld [smem:$0x3F9C];
	_ =	swait.ge [sflag:s4], $0x0  }
0x19: {  	s7 =	sld [smem:$0x3F9D]  }
0x1a: {  	s8 =	sadd.s32 $0xFFFFE003, lr  }
0x1b: {  	s9 =	sadd.s32 $0xFFFFFEF7, lr;
	s5 =	simm.s32 $0xFFFFFFFF;
	p2 =	slt.u32 s8, $0xFFFFF086  }
0x1c: {  	p1 =	slt.u32 s9, $0xF7A;
	s5 =	simm.s32 @!p2 $0x0  }
0x1d: {  	s5 =	simm.s32 @p1 $0x1;
	p0 =	seq.s32 s7, s2  }
0x1e: {  	s7 =	smul.u32 @!p0 $0xF7A, s2;
	p2 =	seq.s32 @!p0 s5, $0x0  }
0x1f: {  	s9 =	smul.u32 $0xF7A, s1;
	s8 =	simm.s32 @!p0 $0x1BF5;
	p2 =	por !p2, p0  }
0x20: {  	[sflag:s8] =	ssyncset.s32 @!p0 $0xFFFFF086;
	s6 =	sadd.s32 @!p0 s3, s7;
	s7 =	simm.s32 @!p0 $0x108  }
0x21: {  	s3 =	sadd.s32 s3, s9;
	s6 =	sadd.s32 @!p0 $0x88, s6;
	s7 =	simm.s32 @p2 $0x1082  }
0x22: {  	[simem:s7], [sflag:s8] =	dma.local @!p0 [hbm:s6], $0xF7A  }
0x23: {  	s9 =	sor.u32 $0xD0000000, s2;
	s6 =	simm.s32 $0x108;
	_ =	swait.ge @!p0 [sflag:s8], $0x0  }
0x24: {  	s3 =	sadd.s32 $0x88, s3;
	s6 =	simm.s32 @!p1 $0x1082;
	[sflag:s4] =	ssyncset.s32 $0xFFFFF086  }
0x25: {  	[simem:s6], [sflag:s4] =	dma.local [hbm:s3], $0xF7A  }
0x26: {  	[smem:$0x3F9D] =	sst s1;
	(tag) =	ssettag s2;
	_ =	strace s9  }
0x27: {  	s1 =	sld [smem:$0x3FAD]  }
0x28: {  	s2 =	sld [smem:$0x3FAE]  }
0x29: {  	s4 =	sld [smem:$0x3FB0]  }
0x2a: {  	p0 =	seq.s32 s5, $0x0;
	s5 =	sld [smem:$0x3FB1]  }
0x2b: {  	s6 =	sld [smem:$0x3FB2]  }
0x2c: {  	s7 =	sld [smem:$0x3FB3]  }
0x2d: {  	s3 =	simm.s32 $0x108;
	s8 =	sld [smem:$0x3FB4]  }
0x2e: {  	s3 =	simm.s32 @!p0 $0x1082;
	s9 =	sld [smem:$0x3FB5]  }
0x2f: {  	lr =	sadd.s32 s0, s3;
	s0 =	sld [smem:$0x3FAC]  }
0x30: {  	s3 =	sld [smem:$0x3FAF]  }
0x31: {  	[smem:$0x3FB8] =	sst s10  }
0x32: {  	s10 =	sld [smem:$0x3FB6];
	_ =	sdelay $0x3  }
0x33: {  	p0 =	seq.s32 s10, $0x1;
	s10 =	sld [smem:$0x3FB8];
	_ =	sdelay $0x3  }
0x34: {  	[smem:$0x3FB8] =	sst s10  }
0x35: {  	s10 =	sld [smem:$0x3FB7];
	_ =	sdelay $0x3  }
0x36: {  	p1 =	seq.s32 s10, $0x1;
	s10 =	sld [smem:$0x3FB8];
	_ =	sdelay $0x3  }
0x37: {  	[smem:$0x3FB8] =	sst s10  }
0x38: {  	s10 =	sld [smem:$0x3FB9]  }
0x39: {  	_ = 	snop;
	(pc) =	sbr.ind lr, $3  }
0x3a: {  	_ = 	snop  }
0x3b: {  	_ = 	snop  }
0x3c: {  	p2 =	seq.s32 s10, $0x1;
	s10 =	sld [smem:$0x3FB8]  }
0x3d: {  	_ =	shalt  }
0x3e: {  	_ =	shalt  }
0x3f: {  	_ =	shalt  }
0x40: {  	_ =	shalt  }
0x41: {  	_ =	shalt  }
0x42: {  	_ =	shalt  }
0x43: {  	_ =	shalt  }
0x44: {  	_ =	shalt  }
0x45: {  	_ =	shalt  }
0x46: {  	_ =	shalt  }
0x47: {  	_ =	shalt  }
0x48: {  	_ =	shalt  }
0x49: {  	_ =	shalt  }
0x4a: {  	_ =	shalt  }
0x4b: {  	_ =	shalt  }
0x4c: {  	_ =	shalt  }
0x4d: {  	_ =	shalt  }
0x4e: {  	_ =	shalt  }
0x4f: {  	_ =	shalt  }
0x50: {  	_ =	shalt  }
0x51: {  	_ =	shalt  }
0x52: {  	_ =	shalt  }
0x53: {  	_ =	shalt  }
0x54: {  	_ =	shalt  }
0x55: {  	_ =	shalt  }
0x56: {  	_ =	shalt  }
0x57: {  	_ =	shalt  }
0x58: {  	_ =	shalt  }
0x59: {  	_ =	shalt  }
0x5a: {  	_ =	shalt  }
0x5b: {  	_ =	shalt  }
0x5c: {  	_ =	shalt  }
0x5d: {  	_ =	shalt  }
0x5e: {  	_ =	shalt  }
0x5f: {  	_ =	shalt  }
0x60: {  	_ =	shalt  }
0x61: {  	_ =	shalt  }
0x62: {  	_ =	shalt  }
0x63: {  	_ =	shalt  }
0x64: {  	_ =	shalt  }
0x65: {  	_ =	shalt  }
0x66: {  	_ =	shalt  }
0x67: {  	_ =	shalt  }
0x68: {  	_ =	shalt  }
0x69: {  	_ =	shalt  }
0x6a: {  	_ =	shalt  }
0x6b: {  	_ =	shalt  }
0x6c: {  	_ =	shalt  }
0x6d: {  	_ =	shalt  }
0x6e: {  	_ =	shalt  }
0x6f: {  	_ =	shalt  }
0x70: {  	_ =	shalt  }
0x71: {  	_ =	shalt  }
0x72: {  	_ =	shalt  }
0x73: {  	_ =	shalt  }
0x74: {  	_ =	shalt  }
0x75: {  	_ =	shalt  }
0x76: {  	_ =	shalt  }
0x77: {  	_ =	shalt  }
0x78: {  	_ =	shalt  }
0x79: {  	_ =	shalt  }
0x7a: {  	_ =	shalt  }
0x7b: {  	_ =	shalt  }
0x7c: {  	_ =	shalt  }
0x7d: {  	_ =	shalt  }
0x7e: {  	_ =	shalt  }
0x7f: {  	_ =	shalt  }
0x80: {  	_ =	shalt  }
0x81: {  	_ =	shalt  }
0x82: {  	_ =	shalt  }
0x83: {  	_ =	shalt  }
0x84: {  	_ =	shalt  }
0x85: {  	_ =	shalt  }
0x86: {  	_ =	shalt  }
0x87: {  	_ =	shalt  }
.Lfunc_end0:
.L_simem_size_0:
called_computation_lowered:
.L_overlay_start_0:
0x88: {  	s2 =	sld [smem:$0x3FD9]  }
0x89: {  	s3 =	sld [smem:$0x3FFE];
	_ =	sdelay $0x1  }
0x8a: {  	s1 =	srdreg.scid  }
0x8b: {  	s0 =	sand.u32 $0x1, s1  }
0x8c: {  	s14 =	sshll.u32 s0, $0xA;
	s2 =	sadd.s32 s3, s2  }
0x8d: {  	s2 =	sadd.s32 s2, s14  }
0x8e: {  	[smem:$0x3FC4] =	sst s2  }
0x8f: {  	_ = 	snop  }
0x90: {  	s2 =	sld [smem:$0x3FD0];
	_ =	sdelay $0x2  }
0x91: {  	s15 =	simm.s32 $0xA;
	s4 =	simm.s32 $0x10  }
0x92: {  	[smem:s4], [sflag:s15] =	dma.local [hbm:s2], $0x1  }
0x93: {  	_ =	swait.eq [sflag:s15], $0x1  }
0x94: {  	[sflag:s15] =	ssyncset.done $0x0  }
0x95: {  	s16 =	sld [smem:$0x14];
	[sflag:s15] =	ssyncadd.s32 $0xFFFFFFFF  }
0x96: {  	s17 =	sld [smem:$0x16];
	(tm) =	ssettm $0x1  }
0x97: {  	s18 =	sld [smem:$0x3FFB];
	_ =	sdelay $0x3  }
0x98: {  	_ =	strace s18  }
0x99: {  	s4 =	sld [smem:$0x3FFC];
	_ =	sdelay $0x3  }
0x9a: {  	_ =	strace s4  }
0x9b: {  	s4 =	sld [smem:$0x3FFD];
	_ =	sdelay $0x3  }
0x9c: {  	_ =	strace s4  }
0x9d: {  	_ =	strace $0x8FFFFFFF  }
0x9e: {  	s19 =	sld [smem:$0x3FDB];
	_ =	sdelay $0x1  }
0x9f: {  	s5 =	simm.s32 $_scs_section_size  }
0xa0: {  	s6 =	simm.s32 $_size__tile_overlayer_lowered;
	s7 =	simm.s32 $_tile_overlayer_lowered  }
0xa1: {  	s22 =	simm.s32 $0x1BFF;
	s21 =	sshll.u32 s7, $0x1;
	s4 =	sadd.s32 s5, s19  }
0xa2: {  	s8 =	simm.s32 $0x0;
	s20 =	sshll.u32 s6, $0x1;
	s6 =	sadd.s32 s21, s4  }
0xa3: {  	[timem:s8], [sflag:s22] =	dma.local [hbm:s6], s20  }
0xa4: {  	_ =	swait.ge [sflag:s22], s20  }
0xa5: {  	s5 =	ssub.s32 $0x0, s20;
	[sflag:s22] =	ssyncset.done $0x0  }
0xa6: {  	[sflag:s22] =	ssyncadd.s32 s5;
	_ =	sdelay $0x1  }
0xa7: {  	s23 =	simm.s32 $0x1B8B  }
0xa8: {  	_ =	swait.ge [sflag:s23], $0x1  }
0xa9: {  	[sflag:s23] =	ssyncset.done $0x0  }
0xaa: {  	s25 =	simm.s32 $0x1B8E;
	s24 =	sld [smem:$0x3FFE];
	[sflag:s23] =	ssyncadd.s32 $0xFFFFFFFF  }
0xab: {  	s26 =	simm.s32 $execute0_lowered;
	[smem:$0x3FD2] =	sst s25  }
0xac: {  	s6 =	sshll.u32 s26, $0x1;
	_ =	strace $0x80000046;
	[dreg:$0x1] =	wrdreg $0xFFFFFFFF  }
0xad: {  	s28 =	simm.s32 $_size_execute0_lowered;
	s4 =	sadd.s32 s4, s6;
	[dreg:$0x0] =	wrdreg $0x0  }
0xae: {  	s6 =	sshll.u32 s28, $0x1;
	[dreg:$0x2] =	wrdreg s4  }
0xaf: {  	[dreg:$0x3] =	wrdreg s6  }
0xb0: {  	[dreg:$0x4] =	wrdreg $0xC0  }
0xb1: {  	_ =	task [dreg:s8], $0x5FFFF  }
0xb2: {  	[dreg:$0x1] =	wrdreg $0xFFFFFFFF  }
0xb3: {  	[dreg:$0x0] =	wrdreg $0x60  }
0xb4: {  	[dreg:$0x2] =	wrdreg s16  }
0xb5: {  	[dreg:$0x3] =	wrdreg s24  }
0xb6: {  	[dreg:$0x4] =	wrdreg s17  }
0xb7: {  	[dreg:$0x5] =	wrdreg $0x104000  }
0xb8: {  	[dreg:$0x6] =	wrdreg $0x9  }
0xb9: {  	_ =	task.clear_ibuf [dreg:s8], $0x7FFFF;
	_ =	strace $0x90000046  }
0xba: {  	s29 =	simm.s32 $0x9;
	_ =	strace $0x80000048  }
0xbb: {  	_ =	swait.ge [sflag:s29], $0x1  }
0xbc: {  	[sflag:s29] =	ssyncadd.s32 $0xFFFFFFFF  }
0xbd: {  	_ =	strace $0x90000048  }
0xbe: {  	_ =	sfence  }
0xbf: {  	s30 =	sld [smem:$0x0];
	_ =	sdelay $0x2  }
0xc0: {  	s31 =	sshll.u32 s1, $0xD;
	s1 =	sshrl.u32 s1, $0x2  }
0xc1: {  	s3 =	sand.u32 $0x4000, s31;
	s1 =	sadd.s32 s1, s30  }
0xc2: {  	s0 =	sor.u32 s3, s0;
	s1 =	sshll.u32 s1, $0x11  }
0xc3: {  	s0 =	sor.u32 s1, s0  }
0xc4: {  	s0 =	sadd.s32 $0x8F2B, s0  }
0xc5: {  	[sflag:s0] =	ssyncadd.remote.s32 $0x1  }
0xc6: {  	_ =	sfence.sel $0xFFFF  }
0xc7: {  	[dreg:$0x0] =	wrdreg $0xFFFFFFFF;
	(pc) =	sbr.abs _section_cstart, $3  }
0xc8: {  	[dreg:$0x1] =	wrdreg $0xFFFFFFFF  }
0xc9: {  	_ =	task.clear_ibuf [dreg:s8], $0x2FFFF;
	_ =	strace $0x9FFFFFFF  }
0xca: {  	(tm) =	ssettm $0x7FFFFFFF  }
0xcb: {  	_ =	shalt  }
tec
execute0_lowered:
.L_overlay_start_1:
0x0: {  	(tag) =	ssettag $0x1  }
0x1: {  	s2 =	rddreg [dreg:$0x0]  }
0x2: {  	s3 =	rddreg [dreg:$0x1]  }
0x3: {  	s8 =	rddreg [dreg:$0x2]  }
0x4: {  	s0 =	srdreg.scid;
	s4 =	stileid.u32  }
0x5: {  	s1 =	rddreg [dreg:$0x3];
	s6 =	simm.s32 $0x0;
	s22 =	simm.s32 $0x400  }
0x6: {  	s20 =	simm.s32 $0x2400;
	s18 =	simm.s32 $0x100;
	s19 =	simm.s32 $0x4400  }
0x7: {  	s16 =	simm.s32 $0x180;
	s17 =	simm.s32 $0x6400;
	s5 =	sand.u32 $0x1, s0  }
0x8: {  	s14 =	simm.s32 $0x200;
	s15 =	simm.s32 $0x8400;
	s10 =	ssub.s32 $0x2, s5  }
0x9: {  	s13 =	simm.s32 $0xA400;
	s12 =	simm.s32 $0xC400;
	s11 =	sshrl.u32 s10, $0x1  }
0xa: {  	p1 =	por $0x0, $0x0;
	s0 =	rddreg [dreg:$0x4];
	s30 =	ssub.s32 s10, s11  }
0xb: {  	s7 =	sshll.u32 s4, $0x1;
	[smem:$0x7FF] =	sst s6;
	s31 =	smax.u32 s30, $0x1  }
0xc: {  	p0 =	sne.s32 s4, $0x0;
	s4 =	simm.s32 $0x1;
	s26 =	sadd.s32 $0xFFFFFFFF, s31  }
0xd: {  	s7 =	sor.u32 s5, s7;
	_ =	strace $0x80000047;
	p2 =	sne.s32 s26, $0x0  }
.Ltmp0:
0xe: {  	s5 =	sshll.u32 s5, $0xD;
	s9 =	sshll.u32 s7, $0xD;
	(pc) =	sbr.rel @!p2 .LBB2_3-.Ltmp0, $4  }
0xf: {  	s7 =	sshll.u32 s7, $0x7;
	s9 =	sadd.s32 s9, s3;
	s3 =	sadd.s32 s5, s3  }
0x10: {  	s23 =	sadd.s32 s2, s7;
	s5 =	simm.s32 $0x80;
	s11 =	simm.s32 $0x280  }
0x11: {  	s7 =	simm.s32 $0x380;
	s10 =	simm.s32 $0xE400;
	s21 =	sadd.s32 $0x81200, s9  }
0x12: {  	s2 =	sadd.s32 $0x1200, s3;
	s3 =	sshrl.u32 @!p0 s1, $0x3;
	s9 =	simm.s32 $0x300  }
0x13: {  	s25 =	simm.s32 @!p0 $0x1C01;
	s24 =	simm.s32 @!p0 $0x1  }
0x14: {  	[spmem:s3], [sflag:s25] =	dma.local @!p0 [hbm:s8], $0x2000  }
0x15: {  	_ =	swait.ge @!p0 [sflag:s24], $0x2000  }
0x16: {  	[sflag:s24] =	ssyncset.done @!p0 $0x0  }
0x17: {  	[sflag:s24] =	ssyncadd.s32 @!p0 $0xFFFFE000  }
0x18: {  	[tilespmem:s6], [sflag:$0x1] =	stream.linear.gather [hbm4b:s23+s6], $0x400, $0x38;
	[tilespmem:$0x11400] =	vst v63  }
0x19: {  	_ =	swait.ge [sflag:s4], $0x400  }
0x1a: {  	[sflag:s4] =	ssyncset.done $0x0  }
0x1b: {  	[sflag:s4] =	ssyncadd.s32 $0xFFFFFC00  }
0x1c: {  	[tilespmem:s22], [sflag:$0x1] =	stream.linear.gather [hbm4b:s21+s6], $0x10000, $0x38;
	[tilespmem:$0x11400] =	vst v63  }
0x1d: {  	_ =	swait.ge [sflag:s4], $0x10000  }
0x1e: {  	[sflag:s4] =	ssyncset.done $0x0  }
0x1f: {  	[sflag:s4] =	ssyncadd.s32 $0xFFFF0000  }
0x20: {  	[bflag:$0x0] =	sbarrier.arrive $0xFFFF  }
0x21: {  	[spmem:s1] =	stream.indirect.scatter.add.f32 [tilespmem:s22], [sflag:$0x1], $0x40, s6, s5, $0xb8;
	[tilespmem:$0x11400] =	vst v63  }
0x22: {  	_ =	swait.ge [sflag:s4], $0x2000  }
0x23: {  	[sflag:s4] =	ssyncset.done $0x0  }
0x24: {  	[sflag:s4] =	ssyncadd.s32 $0xFFFFE000  }
0x25: {  	[spmem:s1] =	stream.indirect.scatter.add.f32 [tilespmem:s20], [sflag:$0x1], $0x40, s5, s5, $0xb8;
	[tilespmem:$0x11400] =	vst v63  }
0x26: {  	_ =	swait.ge [sflag:s4], $0x2000  }
0x27: {  	[sflag:s4] =	ssyncset.done $0x0  }
0x28: {  	[sflag:s4] =	ssyncadd.s32 $0xFFFFE000  }
0x29: {  	[spmem:s1] =	stream.indirect.scatter.add.f32 [tilespmem:s19], [sflag:$0x1], $0x40, s18, s5, $0xb8;
	[tilespmem:$0x11400] =	vst v63  }
0x2a: {  	_ =	swait.ge [sflag:s4], $0x2000  }
0x2b: {  	[sflag:s4] =	ssyncset.done $0x0  }
0x2c: {  	[sflag:s4] =	ssyncadd.s32 $0xFFFFE000  }
0x2d: {  	[spmem:s1] =	stream.indirect.scatter.add.f32 [tilespmem:s17], [sflag:$0x1], $0x40, s16, s5, $0xb8;
	[tilespmem:$0x11400] =	vst v63  }
0x2e: {  	_ =	swait.ge [sflag:s4], $0x2000  }
0x2f: {  	[sflag:s4] =	ssyncset.done $0x0  }
0x30: {  	[sflag:s4] =	ssyncadd.s32 $0xFFFFE000  }
0x31: {  	[spmem:s1] =	stream.indirect.scatter.add.f32 [tilespmem:s15], [sflag:$0x1], $0x40, s14, s5, $0xb8;
	[tilespmem:$0x11400] =	vst v63  }
0x32: {  	_ =	swait.ge [sflag:s4], $0x2000  }
0x33: {  	[sflag:s4] =	ssyncset.done $0x0  }
0x34: {  	[sflag:s4] =	ssyncadd.s32 $0xFFFFE000  }
0x35: {  	[spmem:s1] =	stream.indirect.scatter.add.f32 [tilespmem:s13], [sflag:$0x1], $0x40, s11, s5, $0xb8;
	[tilespmem:$0x11400] =	vst v63  }
0x36: {  	_ =	swait.ge [sflag:s4], $0x2000  }
0x37: {  	[sflag:s4] =	ssyncset.done $0x0  }
0x38: {  	[sflag:s4] =	ssyncadd.s32 $0xFFFFE000  }
0x39: {  	[spmem:s1] =	stream.indirect.scatter.add.f32 [tilespmem:s12], [sflag:$0x1], $0x40, s9, s5, $0xb8;
	[tilespmem:$0x11400] =	vst v63  }
0x3a: {  	_ =	swait.ge [sflag:s4], $0x2000  }
0x3b: {  	[sflag:s4] =	ssyncset.done $0x0  }
0x3c: {  	[sflag:s4] =	ssyncadd.s32 $0xFFFFE000  }
0x3d: {  	[spmem:s1] =	stream.indirect.scatter.add.f32 [tilespmem:s10], [sflag:$0x1], $0x40, s7, s5, $0xb8;
	[tilespmem:$0x11400] =	vst v63  }
0x3e: {  	s26 =	sadd.s32 $0xFFFFFFFF, s26;
	_ =	swait.ge [sflag:s4], $0x2000  }
0x3f: {  	p2 =	sne.s32 s26, $0x0;
	[sflag:s4] =	ssyncset.done $0x0  }
.Ltmp1:
0x40: {  	[sflag:s4] =	ssyncadd.s32 $0xFFFFE000;
	(pc) =	sbr.rel @!p2 .LBB2_3-.Ltmp1, $4  }
0x41: {  	[bflag:$0x0] =	sbarrier.arrive $0xFFFF  }
0x42: {  	[hbm:s2], [sflag:s25] =	dma.local @!p0 [spmem:s3], $0x2000  }
0x43: {  	_ =	swait.ge @!p0 [sflag:s24], $0x2000  }
0x44: {  	p1 =	por $0x1, $0x1;
	[sflag:s24] =	ssyncset.done @!p0 $0x0  }
.LBB2_2:
0x45: {  	[sflag:s24] =	ssyncadd.s32 @!p0 $0xFFFFE000  }
0x46: {  	[spmem:s3], [sflag:s25] =	dma.local @!p0 [hbm:s8], $0x2000  }
0x47: {  	s26 =	sadd.s32 $0xFFFFFFFF, s26;
	_ =	swait.ge @!p0 [sflag:s24], $0x2000  }
0x48: {  	p2 =	sne.s32 s26, $0x0;
	[sflag:s24] =	ssyncset.done @!p0 $0x0  }
0x49: {  	[sflag:s24] =	ssyncadd.s32 @!p0 $0xFFFFE000  }
0x4a: {  	[tilespmem:s6], [sflag:$0x1] =	stream.linear.gather [hbm4b:s23+s6], $0x400, $0x38;
	[tilespmem:$0x11400] =	vst v63  }
0x4b: {  	_ =	swait.ge [sflag:s4], $0x400  }
0x4c: {  	[sflag:s4] =	ssyncset.done $0x0  }
0x4d: {  	[sflag:s4] =	ssyncadd.s32 $0xFFFFFC00  }
0x4e: {  	[tilespmem:s22], [sflag:$0x1] =	stream.linear.gather [hbm4b:s21+s6], $0x10000, $0x38;
	[tilespmem:$0x11400] =	vst v63  }
0x4f: {  	_ =	swait.ge [sflag:s4], $0x10000  }
0x50: {  	[sflag:s4] =	ssyncset.done $0x0  }
0x51: {  	[sflag:s4] =	ssyncadd.s32 $0xFFFF0000  }
0x52: {  	[bflag:$0x0] =	sbarrier.arrive $0xFFFF  }
0x53: {  	[spmem:s1] =	stream.indirect.scatter.add.f32 [tilespmem:s22], [sflag:$0x1], $0x40, s6, s5, $0xb8;
	[tilespmem:$0x11400] =	vst v63  }
0x54: {  	_ =	swait.ge [sflag:s4], $0x2000  }
0x55: {  	[sflag:s4] =	ssyncset.done $0x0  }
0x56: {  	[sflag:s4] =	ssyncadd.s32 $0xFFFFE000  }
0x57: {  	[spmem:s1] =	stream.indirect.scatter.add.f32 [tilespmem:s20], [sflag:$0x1], $0x40, s5, s5, $0xb8;
	[tilespmem:$0x11400] =	vst v63  }
0x58: {  	_ =	swait.ge [sflag:s4], $0x2000  }
0x59: {  	[sflag:s4] =	ssyncset.done $0x0  }
0x5a: {  	[sflag:s4] =	ssyncadd.s32 $0xFFFFE000  }
0x5b: {  	[spmem:s1] =	stream.indirect.scatter.add.f32 [tilespmem:s19], [sflag:$0x1], $0x40, s18, s5, $0xb8;
	[tilespmem:$0x11400] =	vst v63  }
0x5c: {  	_ =	swait.ge [sflag:s4], $0x2000  }
0x5d: {  	[sflag:s4] =	ssyncset.done $0x0  }
0x5e: {  	[sflag:s4] =	ssyncadd.s32 $0xFFFFE000  }
0x5f: {  	[spmem:s1] =	stream.indirect.scatter.add.f32 [tilespmem:s17], [sflag:$0x1], $0x40, s16, s5, $0xb8;
	[tilespmem:$0x11400] =	vst v63  }
0x60: {  	_ =	swait.ge [sflag:s4], $0x2000  }
0x61: {  	[sflag:s4] =	ssyncset.done $0x0  }
0x62: {  	[sflag:s4] =	ssyncadd.s32 $0xFFFFE000  }
0x63: {  	[spmem:s1] =	stream.indirect.scatter.add.f32 [tilespmem:s15], [sflag:$0x1], $0x40, s14, s5, $0xb8;
	[tilespmem:$0x11400] =	vst v63  }
0x64: {  	_ =	swait.ge [sflag:s4], $0x2000  }
0x65: {  	[sflag:s4] =	ssyncset.done $0x0  }
0x66: {  	[sflag:s4] =	ssyncadd.s32 $0xFFFFE000  }
0x67: {  	[spmem:s1] =	stream.indirect.scatter.add.f32 [tilespmem:s13], [sflag:$0x1], $0x40, s11, s5, $0xb8;
	[tilespmem:$0x11400] =	vst v63  }
0x68: {  	_ =	swait.ge [sflag:s4], $0x2000  }
0x69: {  	[sflag:s4] =	ssyncset.done $0x0  }
0x6a: {  	[sflag:s4] =	ssyncadd.s32 $0xFFFFE000  }
0x6b: {  	[spmem:s1] =	stream.indirect.scatter.add.f32 [tilespmem:s12], [sflag:$0x1], $0x40, s9, s5, $0xb8;
	[tilespmem:$0x11400] =	vst v63  }
0x6c: {  	_ =	swait.ge [sflag:s4], $0x2000  }
0x6d: {  	[sflag:s4] =	ssyncset.done $0x0  }
0x6e: {  	[sflag:s4] =	ssyncadd.s32 $0xFFFFE000  }
0x6f: {  	[spmem:s1] =	stream.indirect.scatter.add.f32 [tilespmem:s10], [sflag:$0x1], $0x40, s7, s5, $0xb8;
	[tilespmem:$0x11400] =	vst v63  }
0x70: {  	_ =	swait.ge [sflag:s4], $0x2000  }
0x71: {  	[sflag:s4] =	ssyncset.done $0x0  }
.Ltmp2:
0x72: {  	[sflag:s4] =	ssyncadd.s32 $0xFFFFE000;
	(pc) =	sbr.rel @p2 .LBB2_2-.Ltmp2, $4  }
0x73: {  	[bflag:$0x0] =	sbarrier.arrive $0xFFFF  }
0x74: {  	[hbm:s2], [sflag:s25] =	dma.local @!p0 [spmem:s3], $0x2000  }
0x75: {  	_ =	swait.ge @!p0 [sflag:s24], $0x2000  }
0x76: {  	[sflag:s24] =	ssyncset.done @!p0 $0x0  }
.LBB2_3:
0x77: {  	p1 =	por p0, !p1  }
0x78: {  	[sflag:s24] =	ssyncadd.s32 @!p1 $0xFFFFE000;
	s24 =	simm.s32 @!p0 $0x1C01  }
0x79: {  	[spmem:s3], [sflag:s24] =	dma.local @!p0 [hbm:s8], $0x2000  }
0x7a: {  	s8 =	simm.s32 @!p0 $0x1  }
0x7b: {  	_ =	swait.ge @!p0 [sflag:s8], $0x2000  }
0x7c: {  	[sflag:s8] =	ssyncset.done @!p0 $0x0  }
0x7d: {  	[sflag:s8] =	ssyncadd.s32 @!p0 $0xFFFFE000  }
0x7e: {  	[tilespmem:s6], [sflag:$0x1] =	stream.linear.gather [hbm4b:s23+s6], $0x400, $0x38;
	[tilespmem:$0x11400] =	vst v63  }
0x7f: {  	_ =	swait.ge [sflag:s4], $0x400  }
0x80: {  	[sflag:s4] =	ssyncset.done $0x0  }
0x81: {  	[sflag:s4] =	ssyncadd.s32 $0xFFFFFC00  }
0x82: {  	[tilespmem:s22], [sflag:$0x1] =	stream.linear.gather [hbm4b:s21+s6], $0x10000, $0x38;
	[tilespmem:$0x11400] =	vst v63  }
0x83: {  	_ =	swait.ge [sflag:s4], $0x10000  }
0x84: {  	[sflag:s4] =	ssyncset.done $0x0  }
0x85: {  	[sflag:s4] =	ssyncadd.s32 $0xFFFF0000  }
0x86: {  	[bflag:$0x0] =	sbarrier.arrive $0xFFFF  }
0x87: {  	[spmem:s1] =	stream.indirect.scatter.add.f32 [tilespmem:s22], [sflag:$0x1], $0x40, s6, s5, $0xb8;
	[tilespmem:$0x11400] =	vst v63  }
0x88: {  	_ =	swait.ge [sflag:s4], $0x2000  }
0x89: {  	[sflag:s4] =	ssyncset.done $0x0  }
0x8a: {  	[sflag:s4] =	ssyncadd.s32 $0xFFFFE000  }
0x8b: {  	[spmem:s1] =	stream.indirect.scatter.add.f32 [tilespmem:s20], [sflag:$0x1], $0x40, s5, s5, $0xb8;
	[tilespmem:$0x11400] =	vst v63  }
0x8c: {  	_ =	swait.ge [sflag:s4], $0x2000  }
0x8d: {  	[sflag:s4] =	ssyncset.done $0x0  }
0x8e: {  	[sflag:s4] =	ssyncadd.s32 $0xFFFFE000  }
0x8f: {  	[spmem:s1] =	stream.indirect.scatter.add.f32 [tilespmem:s19], [sflag:$0x1], $0x40, s18, s5, $0xb8;
	[tilespmem:$0x11400] =	vst v63  }
0x90: {  	_ =	swait.ge [sflag:s4], $0x2000  }
0x91: {  	[sflag:s4] =	ssyncset.done $0x0  }
0x92: {  	[sflag:s4] =	ssyncadd.s32 $0xFFFFE000  }
0x93: {  	[spmem:s1] =	stream.indirect.scatter.add.f32 [tilespmem:s17], [sflag:$0x1], $0x40, s16, s5, $0xb8;
	[tilespmem:$0x11400] =	vst v63  }
0x94: {  	_ =	swait.ge [sflag:s4], $0x2000  }
0x95: {  	[sflag:s4] =	ssyncset.done $0x0  }
0x96: {  	[sflag:s4] =	ssyncadd.s32 $0xFFFFE000  }
0x97: {  	[spmem:s1] =	stream.indirect.scatter.add.f32 [tilespmem:s15], [sflag:$0x1], $0x40, s14, s5, $0xb8;
	[tilespmem:$0x11400] =	vst v63  }
0x98: {  	_ =	swait.ge [sflag:s4], $0x2000  }
0x99: {  	[sflag:s4] =	ssyncset.done $0x0  }
0x9a: {  	[sflag:s4] =	ssyncadd.s32 $0xFFFFE000  }
0x9b: {  	[spmem:s1] =	stream.indirect.scatter.add.f32 [tilespmem:s13], [sflag:$0x1], $0x40, s11, s5, $0xb8;
	[tilespmem:$0x11400] =	vst v63  }
0x9c: {  	_ =	swait.ge [sflag:s4], $0x2000  }
0x9d: {  	[sflag:s4] =	ssyncset.done $0x0  }
0x9e: {  	[sflag:s4] =	ssyncadd.s32 $0xFFFFE000  }
0x9f: {  	[spmem:s1] =	stream.indirect.scatter.add.f32 [tilespmem:s12], [sflag:$0x1], $0x40, s9, s5, $0xb8;
	[tilespmem:$0x11400] =	vst v63  }
0xa0: {  	_ =	swait.ge [sflag:s4], $0x2000  }
0xa1: {  	[sflag:s4] =	ssyncset.done $0x0  }
0xa2: {  	[sflag:s4] =	ssyncadd.s32 $0xFFFFE000  }
0xa3: {  	[spmem:s1] =	stream.indirect.scatter.add.f32 [tilespmem:s10], [sflag:$0x1], $0x40, s7, s5, $0xb8;
	[tilespmem:$0x11400] =	vst v63  }
0xa4: {  	_ =	swait.ge [sflag:s4], $0x2000  }
0xa5: {  	[sflag:s4] =	ssyncset.done $0x0  }
0xa6: {  	[sflag:s4] =	ssyncadd.s32 $0xFFFFE000  }
0xa7: {  	[bflag:$0x0] =	sbarrier.arrive $0xFFFF  }
0xa8: {  	[hbm:s2], [sflag:s24] =	dma.local @!p0 [spmem:s3], $0x2000  }
0xa9: {  	_ =	swait.ge @!p0 [sflag:s8], $0x2000  }
0xaa: {  	[sflag:s8] =	ssyncset.done @!p0 $0x0  }
0xab: {  	[sflag:s8] =	ssyncadd.s32 @!p0 $0xFFFFE000  }
0xac: {  	_ =	sfence.sel $0x180000  }
0xad: {  	[bflag:$0x0] =	sbarrier.arrive $0xFFFF  }
0xae: {  	_ =	strace $0x90000047  }
0xaf: {  	s0 =	sadd.s32 @!p0 $0x100000, s0;
	[bflag:$0x2] =	sbarrier.arrive $0xFFFF  }
0xb0: {  	[sflag:s0] =	ssyncadd.tile.s32 @!p0 $0x1;
	_ =	shalt  }
.Lfunc_end2:
_tile_overlayer_lowered:
.L_overlay_start_2:
0xb1: {  	(tag) =	ssettag $0x2  }
0xb2: {  	s0 =	rddreg [dreg:$0x0];
	s2 =	stileid.u32  }
0xb3: {  	s1 =	rddreg [dreg:$0x1];
	p0 =	sne.s32 s2, $0x0  }
0xb4: {  	s3 =	rddreg [dreg:$0x2];
	[bflag:$0x3] =	sbarrier.arrive $0xFFFF;
	s2 =	simm.s32 @!p0 $0x1C01  }
0xb5: {  	[timem:s3], [sflag:s2] =	dma.local @!p0 [hbm:s0], s1  }
0xb6: {  	s0 =	simm.s32 @!p0 $0x1  }
0xb7: {  	_ =	swait.ge @!p0 [sflag:s0], s1  }
0xb8: {  	s1 =	ssub.s32 @!p0 $0x0, s1;
	[sflag:s0] =	ssyncset.done @!p0 $0x0  }
0xb9: {  	[sflag:s0] =	ssyncadd.s32 @!p0 s1  }
0xba: {  	[bflag:$0x3] =	sbarrier.arrive $0xFFFF  }
0xbb: {  	_ =	shalt  }

</sc_bundles>
